<compile_context>
chip_gen: v7x
topology: tpu7x:2x2x1
jax: 0.10.2.dev20260603
libtpu: 0.0.44.dev20260713+nightly
codegen_flags: <defaults>
</compile_context>

<pallas_src>
import functools

import jax
import jax.numpy as jnp
from jax import lax
from jax.experimental import pallas as pl
from jax.experimental.pallas import tpu as pltpu
from jax.experimental.pallas import tpu_sc as plsc

SEG = 16
EMB = 1024
LANES = 16
B_TOT = 4 * 8192
NC, NS = 2, 16
NW = NC * NS
BPW = B_TOT // NW

_SCALE = float(EMB) ** 0.5

_mesh = plsc.VectorSubcoreMesh(core_axis_name="c", subcore_axis_name="s")


@functools.partial(
    pl.kernel,
    out_type=jax.ShapeDtypeStruct((B_TOT, EMB), jnp.float32),
    mesh=_mesh,
    scratch_types=[
        pltpu.VMEM((BPW + LANES,), jnp.int32),
        pltpu.VMEM((SEG, EMB), jnp.float32),
        pltpu.SemaphoreType.DMA,
    ],
)
def _emb_kernel(ids_hbm, w_hbm, out_hbm, idx_v, table_v, sem):
    wid = lax.axis_index("s") * NC + lax.axis_index("c")
    base = wid * BPW

    pltpu.sync_copy(ids_hbm.at[pl.ds(base, BPW)], idx_v.at[pl.ds(0, BPW)])
    pltpu.sync_copy(w_hbm, table_v)

    def scale_row(r, carry):
        for j in range(EMB // LANES):
            table_v[r, pl.ds(j * LANES, LANES)] = (
                table_v[r, pl.ds(j * LANES, LANES)] * _SCALE
            )
        return carry

    lax.fori_loop(0, SEG, scale_row, 0)

    def row(r, carry):
        idv = idx_v[pl.ds(r, LANES)][0]
        pltpu.async_copy(table_v.at[idv], out_hbm.at[base + r], sem)
        return carry

    lax.fori_loop(0, BPW, row, 0)

    def drain(r, carry):
        pltpu.make_async_copy(table_v.at[0], out_hbm.at[base + r], sem).wait()
        return carry

    lax.fori_loop(0, BPW, drain, 0)


def kernel(segment_ids, weight):
    ids_flat = segment_ids.reshape(-1).astype(jnp.int32)
    out = _emb_kernel(ids_flat, weight)
    return out.reshape(segment_ids.shape + (EMB,))

# --- scband reference (transcript-rebuilt; emitter-appended) ---
"""Pipeline reference for scband-segment-embedding-16088947491219 (READ-ONLY COPY).

The authoritative reference and input builder live on the scoring server;
editing this copy changes nothing except your own understanding.
"""

import jax, jax.numpy as jnp
import numpy as np

SEGMENT_SIZE = 16
EMBEDDING_SIZE = 1024

def setup_inputs(seed: int = 0) -> dict:
    key = jax.random.key(seed)
    k_ids, k_w = jax.random.split(key)
    segment_ids = jax.random.randint(k_ids, (4, 8192), 0, SEGMENT_SIZE, dtype=jnp.int64 if jax.config.jax_enable_x64 else jnp.int32)
    weight = jax.random.normal(k_w, (SEGMENT_SIZE, EMBEDDING_SIZE), dtype=jnp.float32) * (EMBEDDING_SIZE ** -0.5)
    return {"segment_ids": segment_ids, "weight": weight}

def reference(segment_ids, weight):
    # Embedding lookup (gather) followed by sqrt(d) scaling, faithful to the torch module.
    segment_embedding = jnp.take(weight, segment_ids, axis=0)
    segment_embedding = (EMBEDDING_SIZE ** 0.5) * segment_embedding
    return segment_embedding

if __name__ == "__main__":
    import jax
    _d = setup_inputs()
    print(jax.jit(kernel)(*tuple(_d.values())))

</pallas_src>

<mosaic_0001>
#map = affine_map<(d0, d1) -> (0)>
#map1 = affine_map<(d0, d1) -> (0, 0)>
module attributes {stable_mosaic.version = 14 : i64} {
  func.func @_emb_kernel(%arg0: i32, %arg1: i32, %arg2: memref<32768xi32, #tpu.memory_space<hbm>>, %arg3: memref<16x1024xf32, #tpu.memory_space<hbm>>, %arg4: memref<32768x1024xf32, #tpu.memory_space<hbm>>, %arg5: memref<1040xi32, #tpu.memory_space<vmem>>, %arg6: memref<16x1024xf32, #tpu.memory_space<vmem>>, %arg7: memref<!tpu.dma_semaphore, #tpu.memory_space<semaphore_mem>>) attributes {dimension_semantics = [#tpu.dimension_semantics<core_parallel>, #tpu.dimension_semantics<subcore_parallel>], iteration_bounds = array<i64: 2, 16>, scalar_prefetch = 0 : i64, scratch_operands = 3 : i64, tpu.core_type = #tpu.core_type<sc_vector_subcore>, window_params = [{transform_indices = #map}, {transform_indices = #map1}, {transform_indices = #map1}]} {
    %mul3A = arith.constant 2 : i32
    %mul3A_0 = arith.muli %arg1, %mul3A : i32
    %add3A = arith.addi %mul3A_0, %arg0 : i32
    %mul3A_1 = arith.constant 1024 : i32
    %mul3A_2 = arith.muli %add3A, %mul3A_1 : i32
    "tpu.region"() ({
      %run_scoped3A = tpu.sem_alloc : memref<!tpu.dma_semaphore, #tpu.memory_space<semaphore_mem>>
      %dma_start3A = arith.constant 0 : i32
      %dma_start3A_20 = tpu.memref_slice %arg5[%dma_start3A] : memref<1040xi32, #tpu.memory_space<vmem>> -> memref<1024xi32, #tpu.memory_space<vmem>>
      %dma_start3A_21 = tpu.memref_slice %arg2[%mul3A_2] : memref<32768xi32, #tpu.memory_space<hbm>> -> memref<1024xi32, #tpu.memory_space<hbm>>
      %dma_start3A_22 = arith.constant 0 : i32
      %dma_start3A_23 = tpu.memref_slice %arg5[%dma_start3A_22] : memref<1040xi32, #tpu.memory_space<vmem>> -> memref<1024xi32, #tpu.memory_space<vmem>>
      %dma_start3A_24 = tpu.memref_slice %arg2[%mul3A_2] : memref<32768xi32, #tpu.memory_space<hbm>> -> memref<1024xi32, #tpu.memory_space<hbm>>
      tpu.enqueue_dma source(%dma_start3A_24 : memref<1024xi32, #tpu.memory_space<hbm>>) target(%dma_start3A_23 : memref<1024xi32, #tpu.memory_space<vmem>>) target_semaphore(%run_scoped3A : memref<!tpu.dma_semaphore, #tpu.memory_space<semaphore_mem>>)
      %dma_wait3A = arith.constant 0 : i32
      %dma_wait3A_25 = tpu.memref_slice %arg5[%dma_wait3A] : memref<1040xi32, #tpu.memory_space<vmem>> -> memref<1024xi32, #tpu.memory_space<vmem>>
      %dma_wait3A_26 = tpu.memref_slice %arg2[%mul3A_2] : memref<32768xi32, #tpu.memory_space<hbm>> -> memref<1024xi32, #tpu.memory_space<hbm>>
      %dma_wait3A_27 = arith.constant 0 : i32
      %dma_wait3A_28 = tpu.memref_slice %arg5[%dma_wait3A_27] : memref<1040xi32, #tpu.memory_space<vmem>> -> memref<1024xi32, #tpu.memory_space<vmem>>
      %dma_wait3A_29 = tpu.memref_slice %arg2[%mul3A_2] : memref<32768xi32, #tpu.memory_space<hbm>> -> memref<1024xi32, #tpu.memory_space<hbm>>
      tpu.wait_dma2 semaphore(%run_scoped3A : memref<!tpu.dma_semaphore, #tpu.memory_space<semaphore_mem>>) src(%dma_wait3A_29 : memref<1024xi32, #tpu.memory_space<hbm>>) dst(%dma_wait3A_28 : memref<1024xi32, #tpu.memory_space<vmem>>)
      tpu.yield
    }) : () -> ()
    "tpu.region"() ({
      %run_scoped3A = tpu.sem_alloc : memref<!tpu.dma_semaphore, #tpu.memory_space<semaphore_mem>>
      tpu.enqueue_dma source(%arg3 : memref<16x1024xf32, #tpu.memory_space<hbm>>) target(%arg6 : memref<16x1024xf32, #tpu.memory_space<vmem>>) target_semaphore(%run_scoped3A : memref<!tpu.dma_semaphore, #tpu.memory_space<semaphore_mem>>)
      tpu.wait_dma2 semaphore(%run_scoped3A : memref<!tpu.dma_semaphore, #tpu.memory_space<semaphore_mem>>) src(%arg3 : memref<16x1024xf32, #tpu.memory_space<hbm>>) dst(%arg6 : memref<16x1024xf32, #tpu.memory_space<vmem>>)
      tpu.yield
    }) : () -> ()
    %scan3A = arith.constant 0 : i32
    %scan3A_3 = arith.constant 0 : i32
    %scan3A_4 = arith.constant 16 : i32
    %scan3A_5 = arith.addi %scan3A_3, %scan3A_4 : i32
    %scan3A_6 = arith.constant 1 : i32
    scf.for %scan3A_20 = %scan3A_3 to %scan3A_5 step %scan3A_6  : i32 {
      %get3A = arith.index_cast %scan3A_20 : i32 to index
      %get3A_21 = arith.constant 0 : index
      %get3A_22 = tpu.vector_load %arg6[%get3A, %get3A_21] {strides = array<i32>} : memref<16x1024xf32, #tpu.memory_space<vmem>>, vector<1x16xf32>,
      %get3A_23 = vector.shape_cast %get3A_22 : vector<1x16xf32> to vector<16xf32>
      %mul3A_24 = arith.constant 3.200000e+01 : f32
      %mul3A_25 = vector.broadcast %mul3A_24 : f32 to vector<16xf32>
      %mul3A_26 = arith.mulf %get3A_23, %mul3A_25 : vector<16xf32>
      %swap3A = arith.index_cast %scan3A_20 : i32 to index
      %swap3A_27 = arith.constant 0 : index
      %swap3A_28 = tpu.vector_load %arg6[%swap3A, %swap3A_27] {strides = array<i32>} : memref<16x1024xf32, #tpu.memory_space<vmem>>, vector<1x16xf32>,
      %swap3A_29 = vector.shape_cast %swap3A_28 : vector<1x16xf32> to vector<16xf32>
      %swap3A_30 = vector.shape_cast %mul3A_26 : vector<16xf32> to vector<1x16xf32>
      tpu.vector_store %arg6[%swap3A, %swap3A_27], %swap3A_30 {strides = array<i32>} : memref<16x1024xf32, #tpu.memory_space<vmem>>, vector<1x16xf32>,
      %get3A_31 = arith.index_cast %scan3A_20 : i32 to index
      %get3A_32 = arith.constant 16 : index
      %get3A_33 = tpu.vector_load %arg6[%get3A_31, %get3A_32] {strides = array<i32>} : memref<16x1024xf32, #tpu.memory_space<vmem>>, vector<1x16xf32>,
      %get3A_34 = vector.shape_cast %get3A_33 : vector<1x16xf32> to vector<16xf32>
      %mul3A_35 = arith.constant 3.200000e+01 : f32
      %mul3A_36 = vector.broadcast %mul3A_35 : f32 to vector<16xf32>
      %mul3A_37 = arith.mulf %get3A_34, %mul3A_36 : vector<16xf32>
      %swap3A_38 = arith.index_cast %scan3A_20 : i32 to index
      %swap3A_39 = arith.constant 16 : index
      %swap3A_40 = tpu.vector_load %arg6[%swap3A_38, %swap3A_39] {strides = array<i32>} : memref<16x1024xf32, #tpu.memory_space<vmem>>, vector<1x16xf32>,
      %swap3A_41 = vector.shape_cast %swap3A_40 : vector<1x16xf32> to vector<16xf32>
      %swap3A_42 = vector.shape_cast %mul3A_37 : vector<16xf32> to vector<1x16xf32>
      tpu.vector_store %arg6[%swap3A_38, %swap3A_39], %swap3A_42 {strides = array<i32>} : memref<16x1024xf32, #tpu.memory_space<vmem>>, vector<1x16xf32>,
      %get3A_43 = arith.index_cast %scan3A_20 : i32 to index
      %get3A_44 = arith.constant 32 : index
      %get3A_45 = tpu.vector_load %arg6[%get3A_43, %get3A_44] {strides = array<i32>} : memref<16x1024xf32, #tpu.memory_space<vmem>>, vector<1x16xf32>,
      %get3A_46 = vector.shape_cast %get3A_45 : vector<1x16xf32> to vector<16xf32>
      %mul3A_47 = arith.constant 3.200000e+01 : f32
      %mul3A_48 = vector.broadcast %mul3A_47 : f32 to vector<16xf32>
      %mul3A_49 = arith.mulf %get3A_46, %mul3A_48 : vector<16xf32>
      %swap3A_50 = arith.index_cast %scan3A_20 : i32 to index
      %swap3A_51 = arith.constant 32 : index
      %swap3A_52 = tpu.vector_load %arg6[%swap3A_50, %swap3A_51] {strides = array<i32>} : memref<16x1024xf32, #tpu.memory_space<vmem>>, vector<1x16xf32>,
      %swap3A_53 = vector.shape_cast %swap3A_52 : vector<1x16xf32> to vector<16xf32>
      %swap3A_54 = vector.shape_cast %mul3A_49 : vector<16xf32> to vector<1x16xf32>
      tpu.vector_store %arg6[%swap3A_50, %swap3A_51], %swap3A_54 {strides = array<i32>} : memref<16x1024xf32, #tpu.memory_space<vmem>>, vector<1x16xf32>,
      %get3A_55 = arith.index_cast %scan3A_20 : i32 to index
      %get3A_56 = arith.constant 48 : index
      %get3A_57 = tpu.vector_load %arg6[%get3A_55, %get3A_56] {strides = array<i32>} : memref<16x1024xf32, #tpu.memory_space<vmem>>, vector<1x16xf32>,
      %get3A_58 = vector.shape_cast %get3A_57 : vector<1x16xf32> to vector<16xf32>
      %mul3A_59 = arith.constant 3.200000e+01 : f32
      %mul3A_60 = vector.broadcast %mul3A_59 : f32 to vector<16xf32>
      %mul3A_61 = arith.mulf %get3A_58, %mul3A_60 : vector<16xf32>
      %swap3A_62 = arith.index_cast %scan3A_20 : i32 to index
      %swap3A_63 = arith.constant 48 : index
      %swap3A_64 = tpu.vector_load %arg6[%swap3A_62, %swap3A_63] {strides = array<i32>} : memref<16x1024xf32, #tpu.memory_space<vmem>>, vector<1x16xf32>,
      %swap3A_65 = vector.shape_cast %swap3A_64 : vector<1x16xf32> to vector<16xf32>
      %swap3A_66 = vector.shape_cast %mul3A_61 : vector<16xf32> to vector<1x16xf32>
      tpu.vector_store %arg6[%swap3A_62, %swap3A_63], %swap3A_66 {strides = array<i32>} : memref<16x1024xf32, #tpu.memory_space<vmem>>, vector<1x16xf32>,
      %get3A_67 = arith.index_cast %scan3A_20 : i32 to index
      %get3A_68 = arith.constant 64 : index
      %get3A_69 = tpu.vector_load %arg6[%get3A_67, %get3A_68] {strides = array<i32>} : memref<16x1024xf32, #tpu.memory_space<vmem>>, vector<1x16xf32>,
      %get3A_70 = vector.shape_cast %get3A_69 : vector<1x16xf32> to vector<16xf32>
      %mul3A_71 = arith.constant 3.200000e+01 : f32
      %mul3A_72 = vector.broadcast %mul3A_71 : f32 to vector<16xf32>
      %mul3A_73 = arith.mulf %get3A_70, %mul3A_72 : vector<16xf32>
      %swap3A_74 = arith.index_cast %scan3A_20 : i32 to index
      %swap3A_75 = arith.constant 64 : index
      %swap3A_76 = tpu.vector_load %arg6[%swap3A_74, %swap3A_75] {strides = array<i32>} : memref<16x1024xf32, #tpu.memory_space<vmem>>, vector<1x16xf32>,
      %swap3A_77 = vector.shape_cast %swap3A_76 : vector<1x16xf32> to vector<16xf32>
      %swap3A_78 = vector.shape_cast %mul3A_73 : vector<16xf32> to vector<1x16xf32>
      tpu.vector_store %arg6[%swap3A_74, %swap3A_75], %swap3A_78 {strides = array<i32>} : memref<16x1024xf32, #tpu.memory_space<vmem>>, vector<1x16xf32>,
      %get3A_79 = arith.index_cast %scan3A_20 : i32 to index
      %get3A_80 = arith.constant 80 : index
      %get3A_81 = tpu.vector_load %arg6[%get3A_79, %get3A_80] {strides = array<i32>} : memref<16x1024xf32, #tpu.memory_space<vmem>>, vector<1x16xf32>,
      %get3A_82 = vector.shape_cast %get3A_81 : vector<1x16xf32> to vector<16xf32>
      %mul3A_83 = arith.constant 3.200000e+01 : f32
      %mul3A_84 = vector.broadcast %mul3A_83 : f32 to vector<16xf32>
      %mul3A_85 = arith.mulf %get3A_82, %mul3A_84 : vector<16xf32>
      %swap3A_86 = arith.index_cast %scan3A_20 : i32 to index
      %swap3A_87 = arith.constant 80 : index
      %swap3A_88 = tpu.vector_load %arg6[%swap3A_86, %swap3A_87] {strides = array<i32>} : memref<16x1024xf32, #tpu.memory_space<vmem>>, vector<1x16xf32>,
      %swap3A_89 = vector.shape_cast %swap3A_88 : vector<1x16xf32> to vector<16xf32>
      %swap3A_90 = vector.shape_cast %mul3A_85 : vector<16xf32> to vector<1x16xf32>
      tpu.vector_store %arg6[%swap3A_86, %swap3A_87], %swap3A_90 {strides = array<i32>} : memref<16x1024xf32, #tpu.memory_space<vmem>>, vector<1x16xf32>,
      %get3A_91 = arith.index_cast %scan3A_20 : i32 to index
      %get3A_92 = arith.constant 96 : index
      %get3A_93 = tpu.vector_load %arg6[%get3A_91, %get3A_92] {strides = array<i32>} : memref<16x1024xf32, #tpu.memory_space<vmem>>, vector<1x16xf32>,
      %get3A_94 = vector.shape_cast %get3A_93 : vector<1x16xf32> to vector<16xf32>
      %mul3A_95 = arith.constant 3.200000e+01 : f32
      %mul3A_96 = vector.broadcast %mul3A_95 : f32 to vector<16xf32>
      %mul3A_97 = arith.mulf %get3A_94, %mul3A_96 : vector<16xf32>
      %swap3A_98 = arith.index_cast %scan3A_20 : i32 to index
      %swap3A_99 = arith.constant 96 : index
      %swap3A_100 = tpu.vector_load %arg6[%swap3A_98, %swap3A_99] {strides = array<i32>} : memref<16x1024xf32, #tpu.memory_space<vmem>>, vector<1x16xf32>,
      %swap3A_101 = vector.shape_cast %swap3A_100 : vector<1x16xf32> to vector<16xf32>
      %swap3A_102 = vector.shape_cast %mul3A_97 : vector<16xf32> to vector<1x16xf32>
      tpu.vector_store %arg6[%swap3A_98, %swap3A_99], %swap3A_102 {strides = array<i32>} : memref<16x1024xf32, #tpu.memory_space<vmem>>, vector<1x16xf32>,
      %get3A_103 = arith.index_cast %scan3A_20 : i32 to index
      %get3A_104 = arith.constant 112 : index
      %get3A_105 = tpu.vector_load %arg6[%get3A_103, %get3A_104] {strides = array<i32>} : memref<16x1024xf32, #tpu.memory_space<vmem>>, vector<1x16xf32>,
      %get3A_106 = vector.shape_cast %get3A_105 : vector<1x16xf32> to vector<16xf32>
      %mul3A_107 = arith.constant 3.200000e+01 : f32
      %mul3A_108 = vector.broadcast %mul3A_107 : f32 to vector<16xf32>
      %mul3A_109 = arith.mulf %get3A_106, %mul3A_108 : vector<16xf32>
      %swap3A_110 = arith.index_cast %scan3A_20 : i32 to index
      %swap3A_111 = arith.constant 112 : index
      %swap3A_112 = tpu.vector_load %arg6[%swap3A_110, %swap3A_111] {strides = array<i32>} : memref<16x1024xf32, #tpu.memory_space<vmem>>, vector<1x16xf32>,
      %swap3A_113 = vector.shape_cast %swap3A_112 : vector<1x16xf32> to vector<16xf32>
      %swap3A_114 = vector.shape_cast %mul3A_109 : vector<16xf32> to vector<1x16xf32>
      tpu.vector_store %arg6[%swap3A_110, %swap3A_111], %swap3A_114 {strides = array<i32>} : memref<16x1024xf32, #tpu.memory_space<vmem>>, vector<1x16xf32>,
      %get3A_115 = arith.index_cast %scan3A_20 : i32 to index
      %get3A_116 = arith.constant 128 : index
      %get3A_117 = tpu.vector_load %arg6[%get3A_115, %get3A_116] {strides = array<i32>} : memref<16x1024xf32, #tpu.memory_space<vmem>>, vector<1x16xf32>,
      %get3A_118 = vector.shape_cast %get3A_117 : vector<1x16xf32> to vector<16xf32>
      %mul3A_119 = arith.constant 3.200000e+01 : f32
      %mul3A_120 = vector.broadcast %mul3A_119 : f32 to vector<16xf32>
      %mul3A_121 = arith.mulf %get3A_118, %mul3A_120 : vector<16xf32>
      %swap3A_122 = arith.index_cast %scan3A_20 : i32 to index
      %swap3A_123 = arith.constant 128 : index
      %swap3A_124 = tpu.vector_load %arg6[%swap3A_122, %swap3A_123] {strides = array<i32>} : memref<16x1024xf32, #tpu.memory_space<vmem>>, vector<1x16xf32>,
      %swap3A_125 = vector.shape_cast %swap3A_124 : vector<1x16xf32> to vector<16xf32>
      %swap3A_126 = vector.shape_cast %mul3A_121 : vector<16xf32> to vector<1x16xf32>
      tpu.vector_store %arg6[%swap3A_122, %swap3A_123], %swap3A_126 {strides = array<i32>} : memref<16x1024xf32, #tpu.memory_space<vmem>>, vector<1x16xf32>,
      %get3A_127 = arith.index_cast %scan3A_20 : i32 to index
      %get3A_128 = arith.constant 144 : index
      %get3A_129 = tpu.vector_load %arg6[%get3A_127, %get3A_128] {strides = array<i32>} : memref<16x1024xf32, #tpu.memory_space<vmem>>, vector<1x16xf32>,
      %get3A_130 = vector.shape_cast %get3A_129 : vector<1x16xf32> to vector<16xf32>
      %mul3A_131 = arith.constant 3.200000e+01 : f32
      %mul3A_132 = vector.broadcast %mul3A_131 : f32 to vector<16xf32>
      %mul3A_133 = arith.mulf %get3A_130, %mul3A_132 : vector<16xf32>
      %swap3A_134 = arith.index_cast %scan3A_20 : i32 to index
      %swap3A_135 = arith.constant 144 : index
      %swap3A_136 = tpu.vector_load %arg6[%swap3A_134, %swap3A_135] {strides = array<i32>} : memref<16x1024xf32, #tpu.memory_space<vmem>>, vector<1x16xf32>,
      %swap3A_137 = vector.shape_cast %swap3A_136 : vector<1x16xf32> to vector<16xf32>
      %swap3A_138 = vector.shape_cast %mul3A_133 : vector<16xf32> to vector<1x16xf32>
      tpu.vector_store %arg6[%swap3A_134, %swap3A_135], %swap3A_138 {strides = array<i32>} : memref<16x1024xf32, #tpu.memory_space<vmem>>, vector<1x16xf32>,
      %get3A_139 = arith.index_cast %scan3A_20 : i32 to index
      %get3A_140 = arith.constant 160 : index
      %get3A_141 = tpu.vector_load %arg6[%get3A_139, %get3A_140] {strides = array<i32>} : memref<16x1024xf32, #tpu.memory_space<vmem>>, vector<1x16xf32>,
      %get3A_142 = vector.shape_cast %get3A_141 : vector<1x16xf32> to vector<16xf32>
      %mul3A_143 = arith.constant 3.200000e+01 : f32
      %mul3A_144 = vector.broadcast %mul3A_143 : f32 to vector<16xf32>
      %mul3A_145 = arith.mulf %get3A_142, %mul3A_144 : vector<16xf32>
      %swap3A_146 = arith.index_cast %scan3A_20 : i32 to index
      %swap3A_147 = arith.constant 160 : index
      %swap3A_148 = tpu.vector_load %arg6[%swap3A_146, %swap3A_147] {strides = array<i32>} : memref<16x1024xf32, #tpu.memory_space<vmem>>, vector<1x16xf32>,
      %swap3A_149 = vector.shape_cast %swap3A_148 : vector<1x16xf32> to vector<16xf32>
      %swap3A_150 = vector.shape_cast %mul3A_145 : vector<16xf32> to vector<1x16xf32>
      tpu.vector_store %arg6[%swap3A_146, %swap3A_147], %swap3A_150 {strides = array<i32>} : memref<16x1024xf32, #tpu.memory_space<vmem>>, vector<1x16xf32>,
      %get3A_151 = arith.index_cast %scan3A_20 : i32 to index
      %get3A_152 = arith.constant 176 : index
      %get3A_153 = tpu.vector_load %arg6[%get3A_151, %get3A_152] {strides = array<i32>} : memref<16x1024xf32, #tpu.memory_space<vmem>>, vector<1x16xf32>,
      %get3A_154 = vector.shape_cast %get3A_153 : vector<1x16xf32> to vector<16xf32>
      %mul3A_155 = arith.constant 3.200000e+01 : f32
      %mul3A_156 = vector.broadcast %mul3A_155 : f32 to vector<16xf32>
      %mul3A_157 = arith.mulf %get3A_154, %mul3A_156 : vector<16xf32>
      %swap3A_158 = arith.index_cast %scan3A_20 : i32 to index
      %swap3A_159 = arith.constant 176 : index
      %swap3A_160 = tpu.vector_load %arg6[%swap3A_158, %swap3A_159] {strides = array<i32>} : memref<16x1024xf32, #tpu.memory_space<vmem>>, vector<1x16xf32>,
      %swap3A_161 = vector.shape_cast %swap3A_160 : vector<1x16xf32> to vector<16xf32>
      %swap3A_162 = vector.shape_cast %mul3A_157 : vector<16xf32> to vector<1x16xf32>
      tpu.vector_store %arg6[%swap3A_158, %swap3A_159], %swap3A_162 {strides = array<i32>} : memref<16x1024xf32, #tpu.memory_space<vmem>>, vector<1x16xf32>,
      %get3A_163 = arith.index_cast %scan3A_20 : i32 to index
      %get3A_164 = arith.constant 192 : index
      %get3A_165 = tpu.vector_load %arg6[%get3A_163, %get3A_164] {strides = array<i32>} : memref<16x1024xf32, #tpu.memory_space<vmem>>, vector<1x16xf32>,
      %get3A_166 = vector.shape_cast %get3A_165 : vector<1x16xf32> to vector<16xf32>
      %mul3A_167 = arith.constant 3.200000e+01 : f32
      %mul3A_168 = vector.broadcast %mul3A_167 : f32 to vector<16xf32>
      %mul3A_169 = arith.mulf %get3A_166, %mul3A_168 : vector<16xf32>
      %swap3A_170 = arith.index_cast %scan3A_20 : i32 to index
      %swap3A_171 = arith.constant 192 : index
      %swap3A_172 = tpu.vector_load %arg6[%swap3A_170, %swap3A_171] {strides = array<i32>} : memref<16x1024xf32, #tpu.memory_space<vmem>>, vector<1x16xf32>,
      %swap3A_173 = vector.shape_cast %swap3A_172 : vector<1x16xf32> to vector<16xf32>
      %swap3A_174 = vector.shape_cast %mul3A_169 : vector<16xf32> to vector<1x16xf32>
      tpu.vector_store %arg6[%swap3A_170, %swap3A_171], %swap3A_174 {strides = array<i32>} : memref<16x1024xf32, #tpu.memory_space<vmem>>, vector<1x16xf32>,
      %get3A_175 = arith.index_cast %scan3A_20 : i32 to index
      %get3A_176 = arith.constant 208 : index
      %get3A_177 = tpu.vector_load %arg6[%get3A_175, %get3A_176] {strides = array<i32>} : memref<16x1024xf32, #tpu.memory_space<vmem>>, vector<1x16xf32>,
      %get3A_178 = vector.shape_cast %get3A_177 : vector<1x16xf32> to vector<16xf32>
      %mul3A_179 = arith.constant 3.200000e+01 : f32
      %mul3A_180 = vector.broadcast %mul3A_179 : f32 to vector<16xf32>
      %mul3A_181 = arith.mulf %get3A_178, %mul3A_180 : vector<16xf32>
      %swap3A_182 = arith.index_cast %scan3A_20 : i32 to index
      %swap3A_183 = arith.constant 208 : index
      %swap3A_184 = tpu.vector_load %arg6[%swap3A_182, %swap3A_183] {strides = array<i32>} : memref<16x1024xf32, #tpu.memory_space<vmem>>, vector<1x16xf32>,
      %swap3A_185 = vector.shape_cast %swap3A_184 : vector<1x16xf32> to vector<16xf32>
      %swap3A_186 = vector.shape_cast %mul3A_181 : vector<16xf32> to vector<1x16xf32>
      tpu.vector_store %arg6[%swap3A_182, %swap3A_183], %swap3A_186 {strides = array<i32>} : memref<16x1024xf32, #tpu.memory_space<vmem>>, vector<1x16xf32>,
      %get3A_187 = arith.index_cast %scan3A_20 : i32 to index
      %get3A_188 = arith.constant 224 : index
      %get3A_189 = tpu.vector_load %arg6[%get3A_187, %get3A_188] {strides = array<i32>} : memref<16x1024xf32, #tpu.memory_space<vmem>>, vector<1x16xf32>,
      %get3A_190 = vector.shape_cast %get3A_189 : vector<1x16xf32> to vector<16xf32>
      %mul3A_191 = arith.constant 3.200000e+01 : f32
      %mul3A_192 = vector.broadcast %mul3A_191 : f32 to vector<16xf32>
      %mul3A_193 = arith.mulf %get3A_190, %mul3A_192 : vector<16xf32>
      %swap3A_194 = arith.index_cast %scan3A_20 : i32 to index
      %swap3A_195 = arith.constant 224 : index
      %swap3A_196 = tpu.vector_load %arg6[%swap3A_194, %swap3A_195] {strides = array<i32>} : memref<16x1024xf32, #tpu.memory_space<vmem>>, vector<1x16xf32>,
      %swap3A_197 = vector.shape_cast %swap3A_196 : vector<1x16xf32> to vector<16xf32>
      %swap3A_198 = vector.shape_cast %mul3A_193 : vector<16xf32> to vector<1x16xf32>
      tpu.vector_store %arg6[%swap3A_194, %swap3A_195], %swap3A_198 {strides = array<i32>} : memref<16x1024xf32, #tpu.memory_space<vmem>>, vector<1x16xf32>,
      %get3A_199 = arith.index_cast %scan3A_20 : i32 to index
      %get3A_200 = arith.constant 240 : index
      %get3A_201 = tpu.vector_load %arg6[%get3A_199, %get3A_200] {strides = array<i32>} : memref<16x1024xf32, #tpu.memory_space<vmem>>, vector<1x16xf32>,
      %get3A_202 = vector.shape_cast %get3A_201 : vector<1x16xf32> to vector<16xf32>
      %mul3A_203 = arith.constant 3.200000e+01 : f32
      %mul3A_204 = vector.broadcast %mul3A_203 : f32 to vector<16xf32>
      %mul3A_205 = arith.mulf %get3A_202, %mul3A_204 : vector<16xf32>
      %swap3A_206 = arith.index_cast %scan3A_20 : i32 to index
      %swap3A_207 = arith.constant 240 : index
      %swap3A_208 = tpu.vector_load %arg6[%swap3A_206, %swap3A_207] {strides = array<i32>} : memref<16x1024xf32, #tpu.memory_space<vmem>>, vector<1x16xf32>,
      %swap3A_209 = vector.shape_cast %swap3A_208 : vector<1x16xf32> to vector<16xf32>
      %swap3A_210 = vector.shape_cast %mul3A_205 : vector<16xf32> to vector<1x16xf32>
      tpu.vector_store %arg6[%swap3A_206, %swap3A_207], %swap3A_210 {strides = array<i32>} : memref<16x1024xf32, #tpu.memory_space<vmem>>, vector<1x16xf32>,
      %get3A_211 = arith.index_cast %scan3A_20 : i32 to index
      %get3A_212 = arith.constant 256 : index
      %get3A_213 = tpu.vector_load %arg6[%get3A_211, %get3A_212] {strides = array<i32>} : memref<16x1024xf32, #tpu.memory_space<vmem>>, vector<1x16xf32>,
      %get3A_214 = vector.shape_cast %get3A_213 : vector<1x16xf32> to vector<16xf32>
      %mul3A_215 = arith.constant 3.200000e+01 : f32
      %mul3A_216 = vector.broadcast %mul3A_215 : f32 to vector<16xf32>
      %mul3A_217 = arith.mulf %get3A_214, %mul3A_216 : vector<16xf32>
      %swap3A_218 = arith.index_cast %scan3A_20 : i32 to index
      %swap3A_219 = arith.constant 256 : index
      %swap3A_220 = tpu.vector_load %arg6[%swap3A_218, %swap3A_219] {strides = array<i32>} : memref<16x1024xf32, #tpu.memory_space<vmem>>, vector<1x16xf32>,
      %swap3A_221 = vector.shape_cast %swap3A_220 : vector<1x16xf32> to vector<16xf32>
      %swap3A_222 = vector.shape_cast %mul3A_217 : vector<16xf32> to vector<1x16xf32>
      tpu.vector_store %arg6[%swap3A_218, %swap3A_219], %swap3A_222 {strides = array<i32>} : memref<16x1024xf32, #tpu.memory_space<vmem>>, vector<1x16xf32>,
      %get3A_223 = arith.index_cast %scan3A_20 : i32 to index
      %get3A_224 = arith.constant 272 : index
      %get3A_225 = tpu.vector_load %arg6[%get3A_223, %get3A_224] {strides = array<i32>} : memref<16x1024xf32, #tpu.memory_space<vmem>>, vector<1x16xf32>,
      %get3A_226 = vector.shape_cast %get3A_225 : vector<1x16xf32> to vector<16xf32>
      %mul3A_227 = arith.constant 3.200000e+01 : f32
      %mul3A_228 = vector.broadcast %mul3A_227 : f32 to vector<16xf32>
      %mul3A_229 = arith.mulf %get3A_226, %mul3A_228 : vector<16xf32>
      %swap3A_230 = arith.index_cast %scan3A_20 : i32 to index
      %swap3A_231 = arith.constant 272 : index
      %swap3A_232 = tpu.vector_load %arg6[%swap3A_230, %swap3A_231] {strides = array<i32>} : memref<16x1024xf32, #tpu.memory_space<vmem>>, vector<1x16xf32>,
      %swap3A_233 = vector.shape_cast %swap3A_232 : vector<1x16xf32> to vector<16xf32>
      %swap3A_234 = vector.shape_cast %mul3A_229 : vector<16xf32> to vector<1x16xf32>
      tpu.vector_store %arg6[%swap3A_230, %swap3A_231], %swap3A_234 {strides = array<i32>} : memref<16x1024xf32, #tpu.memory_space<vmem>>, vector<1x16xf32>,
      %get3A_235 = arith.index_cast %scan3A_20 : i32 to index
      %get3A_236 = arith.constant 288 : index
      %get3A_237 = tpu.vector_load %arg6[%get3A_235, %get3A_236] {strides = array<i32>} : memref<16x1024xf32, #tpu.memory_space<vmem>>, vector<1x16xf32>,
      %get3A_238 = vector.shape_cast %get3A_237 : vector<1x16xf32> to vector<16xf32>
      %mul3A_239 = arith.constant 3.200000e+01 : f32
      %mul3A_240 = vector.broadcast %mul3A_239 : f32 to vector<16xf32>
      %mul3A_241 = arith.mulf %get3A_238, %mul3A_240 : vector<16xf32>
      %swap3A_242 = arith.index_cast %scan3A_20 : i32 to index
      %swap3A_243 = arith.constant 288 : index
      %swap3A_244 = tpu.vector_load %arg6[%swap3A_242, %swap3A_243] {strides = array<i32>} : memref<16x1024xf32, #tpu.memory_space<vmem>>, vector<1x16xf32>,
      %swap3A_245 = vector.shape_cast %swap3A_244 : vector<1x16xf32> to vector<16xf32>
      %swap3A_246 = vector.shape_cast %mul3A_241 : vector<16xf32> to vector<1x16xf32>
      tpu.vector_store %arg6[%swap3A_242, %swap3A_243], %swap3A_246 {strides = array<i32>} : memref<16x1024xf32, #tpu.memory_space<vmem>>, vector<1x16xf32>,
      %get3A_247 = arith.index_cast %scan3A_20 : i32 to index
      %get3A_248 = arith.constant 304 : index
      %get3A_249 = tpu.vector_load %arg6[%get3A_247, %get3A_248] {strides = array<i32>} : memref<16x1024xf32, #tpu.memory_space<vmem>>, vector<1x16xf32>,
      %get3A_250 = vector.shape_cast %get3A_249 : vector<1x16xf32> to vector<16xf32>
      %mul3A_251 = arith.constant 3.200000e+01 : f32
      %mul3A_252 = vector.broadcast %mul3A_251 : f32 to vector<16xf32>
      %mul3A_253 = arith.mulf %get3A_250, %mul3A_252 : vector<16xf32>
      %swap3A_254 = arith.index_cast %scan3A_20 : i32 to index
      %swap3A_255 = arith.constant 304 : index
      %swap3A_256 = tpu.vector_load %arg6[%swap3A_254, %swap3A_255] {strides = array<i32>} : memref<16x1024xf32, #tpu.memory_space<vmem>>, vector<1x16xf32>,
      %swap3A_257 = vector.shape_cast %swap3A_256 : vector<1x16xf32> to vector<16xf32>
      %swap3A_258 = vector.shape_cast %mul3A_253 : vector<16xf32> to vector<1x16xf32>
      tpu.vector_store %arg6[%swap3A_254, %swap3A_255], %swap3A_258 {strides = array<i32>} : memref<16x1024xf32, #tpu.memory_space<vmem>>, vector<1x16xf32>,
      %get3A_259 = arith.index_cast %scan3A_20 : i32 to index
      %get3A_260 = arith.constant 320 : index
      %get3A_261 = tpu.vector_load %arg6[%get3A_259, %get3A_260] {strides = array<i32>} : memref<16x1024xf32, #tpu.memory_space<vmem>>, vector<1x16xf32>,
      %get3A_262 = vector.shape_cast %get3A_261 : vector<1x16xf32> to vector<16xf32>
      %mul3A_263 = arith.constant 3.200000e+01 : f32
      %mul3A_264 = vector.broadcast %mul3A_263 : f32 to vector<16xf32>
      %mul3A_265 = arith.mulf %get3A_262, %mul3A_264 : vector<16xf32>
      %swap3A_266 = arith.index_cast %scan3A_20 : i32 to index
      %swap3A_267 = arith.constant 320 : index
      %swap3A_268 = tpu.vector_load %arg6[%swap3A_266, %swap3A_267] {strides = array<i32>} : memref<16x1024xf32, #tpu.memory_space<vmem>>, vector<1x16xf32>,
      %swap3A_269 = vector.shape_cast %swap3A_268 : vector<1x16xf32> to vector<16xf32>
      %swap3A_270 = vector.shape_cast %mul3A_265 : vector<16xf32> to vector<1x16xf32>
      tpu.vector_store %arg6[%swap3A_266, %swap3A_267], %swap3A_270 {strides = array<i32>} : memref<16x1024xf32, #tpu.memory_space<vmem>>, vector<1x16xf32>,
      %get3A_271 = arith.index_cast %scan3A_20 : i32 to index
      %get3A_272 = arith.constant 336 : index
      %get3A_273 = tpu.vector_load %arg6[%get3A_271, %get3A_272] {strides = array<i32>} : memref<16x1024xf32, #tpu.memory_space<vmem>>, vector<1x16xf32>,
      %get3A_274 = vector.shape_cast %get3A_273 : vector<1x16xf32> to vector<16xf32>
      %mul3A_275 = arith.constant 3.200000e+01 : f32
      %mul3A_276 = vector.broadcast %mul3A_275 : f32 to vector<16xf32>
      %mul3A_277 = arith.mulf %get3A_274, %mul3A_276 : vector<16xf32>
      %swap3A_278 = arith.index_cast %scan3A_20 : i32 to index
      %swap3A_279 = arith.constant 336 : index
      %swap3A_280 = tpu.vector_load %arg6[%swap3A_278, %swap3A_279] {strides = array<i32>} : memref<16x1024xf32, #tpu.memory_space<vmem>>, vector<1x16xf32>,
      %swap3A_281 = vector.shape_cast %swap3A_280 : vector<1x16xf32> to vector<16xf32>
      %swap3A_282 = vector.shape_cast %mul3A_277 : vector<16xf32> to vector<1x16xf32>
      tpu.vector_store %arg6[%swap3A_278, %swap3A_279], %swap3A_282 {strides = array<i32>} : memref<16x1024xf32, #tpu.memory_space<vmem>>, vector<1x16xf32>,
      %get3A_283 = arith.index_cast %scan3A_20 : i32 to index
      %get3A_284 = arith.constant 352 : index
      %get3A_285 = tpu.vector_load %arg6[%get3A_283, %get3A_284] {strides = array<i32>} : memref<16x1024xf32, #tpu.memory_space<vmem>>, vector<1x16xf32>,
      %get3A_286 = vector.shape_cast %get3A_285 : vector<1x16xf32> to vector<16xf32>
      %mul3A_287 = arith.constant 3.200000e+01 : f32
      %mul3A_288 = vector.broadcast %mul3A_287 : f32 to vector<16xf32>
      %mul3A_289 = arith.mulf %get3A_286, %mul3A_288 : vector<16xf32>
      %swap3A_290 = arith.index_cast %scan3A_20 : i32 to index
      %swap3A_291 = arith.constant 352 : index
      %swap3A_292 = tpu.vector_load %arg6[%swap3A_290, %swap3A_291] {strides = array<i32>} : memref<16x1024xf32, #tpu.memory_space<vmem>>, vector<1x16xf32>,
      %swap3A_293 = vector.shape_cast %swap3A_292 : vector<1x16xf32> to vector<16xf32>
      %swap3A_294 = vector.shape_cast %mul3A_289 : vector<16xf32> to vector<1x16xf32>
      tpu.vector_store %arg6[%swap3A_290, %swap3A_291], %swap3A_294 {strides = array<i32>} : memref<16x1024xf32, #tpu.memory_space<vmem>>, vector<1x16xf32>,
      %get3A_295 = arith.index_cast %scan3A_20 : i32 to index
      %get3A_296 = arith.constant 368 : index
      %get3A_297 = tpu.vector_load %arg6[%get3A_295, %get3A_296] {strides = array<i32>} : memref<16x1024xf32, #tpu.memory_space<vmem>>, vector<1x16xf32>,
      %get3A_298 = vector.shape_cast %get3A_297 : vector<1x16xf32> to vector<16xf32>
      %mul3A_299 = arith.constant 3.200000e+01 : f32
      %mul3A_300 = vector.broadcast %mul3A_299 : f32 to vector<16xf32>
      %mul3A_301 = arith.mulf %get3A_298, %mul3A_300 : vector<16xf32>
      %swap3A_302 = arith.index_cast %scan3A_20 : i32 to index
      %swap3A_303 = arith.constant 368 : index
      %swap3A_304 = tpu.vector_load %arg6[%swap3A_302, %swap3A_303] {strides = array<i32>} : memref<16x1024xf32, #tpu.memory_space<vmem>>, vector<1x16xf32>,
      %swap3A_305 = vector.shape_cast %swap3A_304 : vector<1x16xf32> to vector<16xf32>
      %swap3A_306 = vector.shape_cast %mul3A_301 : vector<16xf32> to vector<1x16xf32>
      tpu.vector_store %arg6[%swap3A_302, %swap3A_303], %swap3A_306 {strides = array<i32>} : memref<16x1024xf32, #tpu.memory_space<vmem>>, vector<1x16xf32>,
      %get3A_307 = arith.index_cast %scan3A_20 : i32 to index
      %get3A_308 = arith.constant 384 : index
      %get3A_309 = tpu.vector_load %arg6[%get3A_307, %get3A_308] {strides = array<i32>} : memref<16x1024xf32, #tpu.memory_space<vmem>>, vector<1x16xf32>,
      %get3A_310 = vector.shape_cast %get3A_309 : vector<1x16xf32> to vector<16xf32>
      %mul3A_311 = arith.constant 3.200000e+01 : f32
      %mul3A_312 = vector.broadcast %mul3A_311 : f32 to vector<16xf32>
      %mul3A_313 = arith.mulf %get3A_310, %mul3A_312 : vector<16xf32>
      %swap3A_314 = arith.index_cast %scan3A_20 : i32 to index
      %swap3A_315 = arith.constant 384 : index
      %swap3A_316 = tpu.vector_load %arg6[%swap3A_314, %swap3A_315] {strides = array<i32>} : memref<16x1024xf32, #tpu.memory_space<vmem>>, vector<1x16xf32>,
      %swap3A_317 = vector.shape_cast %swap3A_316 : vector<1x16xf32> to vector<16xf32>
      %swap3A_318 = vector.shape_cast %mul3A_313 : vector<16xf32> to vector<1x16xf32>
      tpu.vector_store %arg6[%swap3A_314, %swap3A_315], %swap3A_318 {strides = array<i32>} : memref<16x1024xf32, #tpu.memory_space<vmem>>, vector<1x16xf32>,
      %get3A_319 = arith.index_cast %scan3A_20 : i32 to index
      %get3A_320 = arith.constant 400 : index
      %get3A_321 = tpu.vector_load %arg6[%get3A_319, %get3A_320] {strides = array<i32>} : memref<16x1024xf32, #tpu.memory_space<vmem>>, vector<1x16xf32>,
      %get3A_322 = vector.shape_cast %get3A_321 : vector<1x16xf32> to vector<16xf32>
      %mul3A_323 = arith.constant 3.200000e+01 : f32
      %mul3A_324 = vector.broadcast %mul3A_323 : f32 to vector<16xf32>
      %mul3A_325 = arith.mulf %get3A_322, %mul3A_324 : vector<16xf32>
      %swap3A_326 = arith.index_cast %scan3A_20 : i32 to index
      %swap3A_327 = arith.constant 400 : index
      %swap3A_328 = tpu.vector_load %arg6[%swap3A_326, %swap3A_327] {strides = array<i32>} : memref<16x1024xf32, #tpu.memory_space<vmem>>, vector<1x16xf32>,
      %swap3A_329 = vector.shape_cast %swap3A_328 : vector<1x16xf32> to vector<16xf32>
      %swap3A_330 = vector.shape_cast %mul3A_325 : vector<16xf32> to vector<1x16xf32>
      tpu.vector_store %arg6[%swap3A_326, %swap3A_327], %swap3A_330 {strides = array<i32>} : memref<16x1024xf32, #tpu.memory_space<vmem>>, vector<1x16xf32>,
      %get3A_331 = arith.index_cast %scan3A_20 : i32 to index
      %get3A_332 = arith.constant 416 : index
      %get3A_333 = tpu.vector_load %arg6[%get3A_331, %get3A_332] {strides = array<i32>} : memref<16x1024xf32, #tpu.memory_space<vmem>>, vector<1x16xf32>,
      %get3A_334 = vector.shape_cast %get3A_333 : vector<1x16xf32> to vector<16xf32>
      %mul3A_335 = arith.constant 3.200000e+01 : f32
      %mul3A_336 = vector.broadcast %mul3A_335 : f32 to vector<16xf32>
      %mul3A_337 = arith.mulf %get3A_334, %mul3A_336 : vector<16xf32>
      %swap3A_338 = arith.index_cast %scan3A_20 : i32 to index
      %swap3A_339 = arith.constant 416 : index
      %swap3A_340 = tpu.vector_load %arg6[%swap3A_338, %swap3A_339] {strides = array<i32>} : memref<16x1024xf32, #tpu.memory_space<vmem>>, vector<1x16xf32>,
      %swap3A_341 = vector.shape_cast %swap3A_340 : vector<1x16xf32> to vector<16xf32>
      %swap3A_342 = vector.shape_cast %mul3A_337 : vector<16xf32> to vector<1x16xf32>
      tpu.vector_store %arg6[%swap3A_338, %swap3A_339], %swap3A_342 {strides = array<i32>} : memref<16x1024xf32, #tpu.memory_space<vmem>>, vector<1x16xf32>,
      %get3A_343 = arith.index_cast %scan3A_20 : i32 to index
      %get3A_344 = arith.constant 432 : index
      %get3A_345 = tpu.vector_load %arg6[%get3A_343, %get3A_344] {strides = array<i32>} : memref<16x1024xf32, #tpu.memory_space<vmem>>, vector<1x16xf32>,
      %get3A_346 = vector.shape_cast %get3A_345 : vector<1x16xf32> to vector<16xf32>
      %mul3A_347 = arith.constant 3.200000e+01 : f32
      %mul3A_348 = vector.broadcast %mul3A_347 : f32 to vector<16xf32>
      %mul3A_349 = arith.mulf %get3A_346, %mul3A_348 : vector<16xf32>
      %swap3A_350 = arith.index_cast %scan3A_20 : i32 to index
      %swap3A_351 = arith.constant 432 : index
      %swap3A_352 = tpu.vector_load %arg6[%swap3A_350, %swap3A_351] {strides = array<i32>} : memref<16x1024xf32, #tpu.memory_space<vmem>>, vector<1x16xf32>,
      %swap3A_353 = vector.shape_cast %swap3A_352 : vector<1x16xf32> to vector<16xf32>
      %swap3A_354 = vector.shape_cast %mul3A_349 : vector<16xf32> to vector<1x16xf32>
      tpu.vector_store %arg6[%swap3A_350, %swap3A_351], %swap3A_354 {strides = array<i32>} : memref<16x1024xf32, #tpu.memory_space<vmem>>, vector<1x16xf32>,
      %get3A_355 = arith.index_cast %scan3A_20 : i32 to index
      %get3A_356 = arith.constant 448 : index
      %get3A_357 = tpu.vector_load %arg6[%get3A_355, %get3A_356] {strides = array<i32>} : memref<16x1024xf32, #tpu.memory_space<vmem>>, vector<1x16xf32>,
      %get3A_358 = vector.shape_cast %get3A_357 : vector<1x16xf32> to vector<16xf32>
      %mul3A_359 = arith.constant 3.200000e+01 : f32
      %mul3A_360 = vector.broadcast %mul3A_359 : f32 to vector<16xf32>
      %mul3A_361 = arith.mulf %get3A_358, %mul3A_360 : vector<16xf32>
      %swap3A_362 = arith.index_cast %scan3A_20 : i32 to index
      %swap3A_363 = arith.constant 448 : index
      %swap3A_364 = tpu.vector_load %arg6[%swap3A_362, %swap3A_363] {strides = array<i32>} : memref<16x1024xf32, #tpu.memory_space<vmem>>, vector<1x16xf32>,
      %swap3A_365 = vector.shape_cast %swap3A_364 : vector<1x16xf32> to vector<16xf32>
      %swap3A_366 = vector.shape_cast %mul3A_361 : vector<16xf32> to vector<1x16xf32>
      tpu.vector_store %arg6[%swap3A_362, %swap3A_363], %swap3A_366 {strides = array<i32>} : memref<16x1024xf32, #tpu.memory_space<vmem>>, vector<1x16xf32>,
      %get3A_367 = arith.index_cast %scan3A_20 : i32 to index
      %get3A_368 = arith.constant 464 : index
      %get3A_369 = tpu.vector_load %arg6[%get3A_367, %get3A_368] {strides = array<i32>} : memref<16x1024xf32, #tpu.memory_space<vmem>>, vector<1x16xf32>,
      %get3A_370 = vector.shape_cast %get3A_369 : vector<1x16xf32> to vector<16xf32>
      %mul3A_371 = arith.constant 3.200000e+01 : f32
      %mul3A_372 = vector.broadcast %mul3A_371 : f32 to vector<16xf32>
      %mul3A_373 = arith.mulf %get3A_370, %mul3A_372 : vector<16xf32>
      %swap3A_374 = arith.index_cast %scan3A_20 : i32 to index
      %swap3A_375 = arith.constant 464 : index
      %swap3A_376 = tpu.vector_load %arg6[%swap3A_374, %swap3A_375] {strides = array<i32>} : memref<16x1024xf32, #tpu.memory_space<vmem>>, vector<1x16xf32>,
      %swap3A_377 = vector.shape_cast %swap3A_376 : vector<1x16xf32> to vector<16xf32>
      %swap3A_378 = vector.shape_cast %mul3A_373 : vector<16xf32> to vector<1x16xf32>
      tpu.vector_store %arg6[%swap3A_374, %swap3A_375], %swap3A_378 {strides = array<i32>} : memref<16x1024xf32, #tpu.memory_space<vmem>>, vector<1x16xf32>,
      %get3A_379 = arith.index_cast %scan3A_20 : i32 to index
      %get3A_380 = arith.constant 480 : index
      %get3A_381 = tpu.vector_load %arg6[%get3A_379, %get3A_380] {strides = array<i32>} : memref<16x1024xf32, #tpu.memory_space<vmem>>, vector<1x16xf32>,
      %get3A_382 = vector.shape_cast %get3A_381 : vector<1x16xf32> to vector<16xf32>
      %mul3A_383 = arith.constant 3.200000e+01 : f32
      %mul3A_384 = vector.broadcast %mul3A_383 : f32 to vector<16xf32>
      %mul3A_385 = arith.mulf %get3A_382, %mul3A_384 : vector<16xf32>
      %swap3A_386 = arith.index_cast %scan3A_20 : i32 to index
      %swap3A_387 = arith.constant 480 : index
      %swap3A_388 = tpu.vector_load %arg6[%swap3A_386, %swap3A_387] {strides = array<i32>} : memref<16x1024xf32, #tpu.memory_space<vmem>>, vector<1x16xf32>,
      %swap3A_389 = vector.shape_cast %swap3A_388 : vector<1x16xf32> to vector<16xf32>
      %swap3A_390 = vector.shape_cast %mul3A_385 : vector<16xf32> to vector<1x16xf32>
      tpu.vector_store %arg6[%swap3A_386, %swap3A_387], %swap3A_390 {strides = array<i32>} : memref<16x1024xf32, #tpu.memory_space<vmem>>, vector<1x16xf32>,
      %get3A_391 = arith.index_cast %scan3A_20 : i32 to index
      %get3A_392 = arith.constant 496 : index
      %get3A_393 = tpu.vector_load %arg6[%get3A_391, %get3A_392] {strides = array<i32>} : memref<16x1024xf32, #tpu.memory_space<vmem>>, vector<1x16xf32>,
      %get3A_394 = vector.shape_cast %get3A_393 : vector<1x16xf32> to vector<16xf32>
      %mul3A_395 = arith.constant 3.200000e+01 : f32
      %mul3A_396 = vector.broadcast %mul3A_395 : f32 to vector<16xf32>
      %mul3A_397 = arith.mulf %get3A_394, %mul3A_396 : vector<16xf32>
      %swap3A_398 = arith.index_cast %scan3A_20 : i32 to index
      %swap3A_399 = arith.constant 496 : index
      %swap3A_400 = tpu.vector_load %arg6[%swap3A_398, %swap3A_399] {strides = array<i32>} : memref<16x1024xf32, #tpu.memory_space<vmem>>, vector<1x16xf32>,
      %swap3A_401 = vector.shape_cast %swap3A_400 : vector<1x16xf32> to vector<16xf32>
      %swap3A_402 = vector.shape_cast %mul3A_397 : vector<16xf32> to vector<1x16xf32>
      tpu.vector_store %arg6[%swap3A_398, %swap3A_399], %swap3A_402 {strides = array<i32>} : memref<16x1024xf32, #tpu.memory_space<vmem>>, vector<1x16xf32>,
      %get3A_403 = arith.index_cast %scan3A_20 : i32 to index
      %get3A_404 = arith.constant 512 : index
      %get3A_405 = tpu.vector_load %arg6[%get3A_403, %get3A_404] {strides = array<i32>} : memref<16x1024xf32, #tpu.memory_space<vmem>>, vector<1x16xf32>,
      %get3A_406 = vector.shape_cast %get3A_405 : vector<1x16xf32> to vector<16xf32>
      %mul3A_407 = arith.constant 3.200000e+01 : f32
      %mul3A_408 = vector.broadcast %mul3A_407 : f32 to vector<16xf32>
      %mul3A_409 = arith.mulf %get3A_406, %mul3A_408 : vector<16xf32>
      %swap3A_410 = arith.index_cast %scan3A_20 : i32 to index
      %swap3A_411 = arith.constant 512 : index
      %swap3A_412 = tpu.vector_load %arg6[%swap3A_410, %swap3A_411] {strides = array<i32>} : memref<16x1024xf32, #tpu.memory_space<vmem>>, vector<1x16xf32>,
      %swap3A_413 = vector.shape_cast %swap3A_412 : vector<1x16xf32> to vector<16xf32>
      %swap3A_414 = vector.shape_cast %mul3A_409 : vector<16xf32> to vector<1x16xf32>
      tpu.vector_store %arg6[%swap3A_410, %swap3A_411], %swap3A_414 {strides = array<i32>} : memref<16x1024xf32, #tpu.memory_space<vmem>>, vector<1x16xf32>,
      %get3A_415 = arith.index_cast %scan3A_20 : i32 to index
      %get3A_416 = arith.constant 528 : index
      %get3A_417 = tpu.vector_load %arg6[%get3A_415, %get3A_416] {strides = array<i32>} : memref<16x1024xf32, #tpu.memory_space<vmem>>, vector<1x16xf32>,
      %get3A_418 = vector.shape_cast %get3A_417 : vector<1x16xf32> to vector<16xf32>
      %mul3A_419 = arith.constant 3.200000e+01 : f32
      %mul3A_420 = vector.broadcast %mul3A_419 : f32 to vector<16xf32>
      %mul3A_421 = arith.mulf %get3A_418, %mul3A_420 : vector<16xf32>
      %swap3A_422 = arith.index_cast %scan3A_20 : i32 to index
      %swap3A_423 = arith.constant 528 : index
      %swap3A_424 = tpu.vector_load %arg6[%swap3A_422, %swap3A_423] {strides = array<i32>} : memref<16x1024xf32, #tpu.memory_space<vmem>>, vector<1x16xf32>,
      %swap3A_425 = vector.shape_cast %swap3A_424 : vector<1x16xf32> to vector<16xf32>
      %swap3A_426 = vector.shape_cast %mul3A_421 : vector<16xf32> to vector<1x16xf32>
      tpu.vector_store %arg6[%swap3A_422, %swap3A_423], %swap3A_426 {strides = array<i32>} : memref<16x1024xf32, #tpu.memory_space<vmem>>, vector<1x16xf32>,
      %get3A_427 = arith.index_cast %scan3A_20 : i32 to index
      %get3A_428 = arith.constant 544 : index
      %get3A_429 = tpu.vector_load %arg6[%get3A_427, %get3A_428] {strides = array<i32>} : memref<16x1024xf32, #tpu.memory_space<vmem>>, vector<1x16xf32>,
      %get3A_430 = vector.shape_cast %get3A_429 : vector<1x16xf32> to vector<16xf32>
      %mul3A_431 = arith.constant 3.200000e+01 : f32
      %mul3A_432 = vector.broadcast %mul3A_431 : f32 to vector<16xf32>
      %mul3A_433 = arith.mulf %get3A_430, %mul3A_432 : vector<16xf32>
      %swap3A_434 = arith.index_cast %scan3A_20 : i32 to index
      %swap3A_435 = arith.constant 544 : index
      %swap3A_436 = tpu.vector_load %arg6[%swap3A_434, %swap3A_435] {strides = array<i32>} : memref<16x1024xf32, #tpu.memory_space<vmem>>, vector<1x16xf32>,
      %swap3A_437 = vector.shape_cast %swap3A_436 : vector<1x16xf32> to vector<16xf32>
      %swap3A_438 = vector.shape_cast %mul3A_433 : vector<16xf32> to vector<1x16xf32>
      tpu.vector_store %arg6[%swap3A_434, %swap3A_435], %swap3A_438 {strides = array<i32>} : memref<16x1024xf32, #tpu.memory_space<vmem>>, vector<1x16xf32>,
      %get3A_439 = arith.index_cast %scan3A_20 : i32 to index
      %get3A_440 = arith.constant 560 : index
      %get3A_441 = tpu.vector_load %arg6[%get3A_439, %get3A_440] {strides = array<i32>} : memref<16x1024xf32, #tpu.memory_space<vmem>>, vector<1x16xf32>,
      %get3A_442 = vector.shape_cast %get3A_441 : vector<1x16xf32> to vector<16xf32>
      %mul3A_443 = arith.constant 3.200000e+01 : f32
      %mul3A_444 = vector.broadcast %mul3A_443 : f32 to vector<16xf32>
      %mul3A_445 = arith.mulf %get3A_442, %mul3A_444 : vector<16xf32>
      %swap3A_446 = arith.index_cast %scan3A_20 : i32 to index
      %swap3A_447 = arith.constant 560 : index
      %swap3A_448 = tpu.vector_load %arg6[%swap3A_446, %swap3A_447] {strides = array<i32>} : memref<16x1024xf32, #tpu.memory_space<vmem>>, vector<1x16xf32>,
      %swap3A_449 = vector.shape_cast %swap3A_448 : vector<1x16xf32> to vector<16xf32>
      %swap3A_450 = vector.shape_cast %mul3A_445 : vector<16xf32> to vector<1x16xf32>
      tpu.vector_store %arg6[%swap3A_446, %swap3A_447], %swap3A_450 {strides = array<i32>} : memref<16x1024xf32, #tpu.memory_space<vmem>>, vector<1x16xf32>,
      %get3A_451 = arith.index_cast %scan3A_20 : i32 to index
      %get3A_452 = arith.constant 576 : index
      %get3A_453 = tpu.vector_load %arg6[%get3A_451, %get3A_452] {strides = array<i32>} : memref<16x1024xf32, #tpu.memory_space<vmem>>, vector<1x16xf32>,
      %get3A_454 = vector.shape_cast %get3A_453 : vector<1x16xf32> to vector<16xf32>
      %mul3A_455 = arith.constant 3.200000e+01 : f32
      %mul3A_456 = vector.broadcast %mul3A_455 : f32 to vector<16xf32>
      %mul3A_457 = arith.mulf %get3A_454, %mul3A_456 : vector<16xf32>
      %swap3A_458 = arith.index_cast %scan3A_20 : i32 to index
      %swap3A_459 = arith.constant 576 : index
      %swap3A_460 = tpu.vector_load %arg6[%swap3A_458, %swap3A_459] {strides = array<i32>} : memref<16x1024xf32, #tpu.memory_space<vmem>>, vector<1x16xf32>,
      %swap3A_461 = vector.shape_cast %swap3A_460 : vector<1x16xf32> to vector<16xf32>
      %swap3A_462 = vector.shape_cast %mul3A_457 : vector<16xf32> to vector<1x16xf32>
      tpu.vector_store %arg6[%swap3A_458, %swap3A_459], %swap3A_462 {strides = array<i32>} : memref<16x1024xf32, #tpu.memory_space<vmem>>, vector<1x16xf32>,
      %get3A_463 = arith.index_cast %scan3A_20 : i32 to index
      %get3A_464 = arith.constant 592 : index
      %get3A_465 = tpu.vector_load %arg6[%get3A_463, %get3A_464] {strides = array<i32>} : memref<16x1024xf32, #tpu.memory_space<vmem>>, vector<1x16xf32>,
      %get3A_466 = vector.shape_cast %get3A_465 : vector<1x16xf32> to vector<16xf32>
      %mul3A_467 = arith.constant 3.200000e+01 : f32
      %mul3A_468 = vector.broadcast %mul3A_467 : f32 to vector<16xf32>
      %mul3A_469 = arith.mulf %get3A_466, %mul3A_468 : vector<16xf32>
      %swap3A_470 = arith.index_cast %scan3A_20 : i32 to index
      %swap3A_471 = arith.constant 592 : index
      %swap3A_472 = tpu.vector_load %arg6[%swap3A_470, %swap3A_471] {strides = array<i32>} : memref<16x1024xf32, #tpu.memory_space<vmem>>, vector<1x16xf32>,
      %swap3A_473 = vector.shape_cast %swap3A_472 : vector<1x16xf32> to vector<16xf32>
      %swap3A_474 = vector.shape_cast %mul3A_469 : vector<16xf32> to vector<1x16xf32>
      tpu.vector_store %arg6[%swap3A_470, %swap3A_471], %swap3A_474 {strides = array<i32>} : memref<16x1024xf32, #tpu.memory_space<vmem>>, vector<1x16xf32>,
      %get3A_475 = arith.index_cast %scan3A_20 : i32 to index
      %get3A_476 = arith.constant 608 : index
      %get3A_477 = tpu.vector_load %arg6[%get3A_475, %get3A_476] {strides = array<i32>} : memref<16x1024xf32, #tpu.memory_space<vmem>>, vector<1x16xf32>,
      %get3A_478 = vector.shape_cast %get3A_477 : vector<1x16xf32> to vector<16xf32>
      %mul3A_479 = arith.constant 3.200000e+01 : f32
      %mul3A_480 = vector.broadcast %mul3A_479 : f32 to vector<16xf32>
      %mul3A_481 = arith.mulf %get3A_478, %mul3A_480 : vector<16xf32>
      %swap3A_482 = arith.index_cast %scan3A_20 : i32 to index
      %swap3A_483 = arith.constant 608 : index
      %swap3A_484 = tpu.vector_load %arg6[%swap3A_482, %swap3A_483] {strides = array<i32>} : memref<16x1024xf32, #tpu.memory_space<vmem>>, vector<1x16xf32>,
      %swap3A_485 = vector.shape_cast %swap3A_484 : vector<1x16xf32> to vector<16xf32>
      %swap3A_486 = vector.shape_cast %mul3A_481 : vector<16xf32> to vector<1x16xf32>
      tpu.vector_store %arg6[%swap3A_482, %swap3A_483], %swap3A_486 {strides = array<i32>} : memref<16x1024xf32, #tpu.memory_space<vmem>>, vector<1x16xf32>,
      %get3A_487 = arith.index_cast %scan3A_20 : i32 to index
      %get3A_488 = arith.constant 624 : index
      %get3A_489 = tpu.vector_load %arg6[%get3A_487, %get3A_488] {strides = array<i32>} : memref<16x1024xf32, #tpu.memory_space<vmem>>, vector<1x16xf32>,
      %get3A_490 = vector.shape_cast %get3A_489 : vector<1x16xf32> to vector<16xf32>
      %mul3A_491 = arith.constant 3.200000e+01 : f32
      %mul3A_492 = vector.broadcast %mul3A_491 : f32 to vector<16xf32>
      %mul3A_493 = arith.mulf %get3A_490, %mul3A_492 : vector<16xf32>
      %swap3A_494 = arith.index_cast %scan3A_20 : i32 to index
      %swap3A_495 = arith.constant 624 : index
      %swap3A_496 = tpu.vector_load %arg6[%swap3A_494, %swap3A_495] {strides = array<i32>} : memref<16x1024xf32, #tpu.memory_space<vmem>>, vector<1x16xf32>,
      %swap3A_497 = vector.shape_cast %swap3A_496 : vector<1x16xf32> to vector<16xf32>
      %swap3A_498 = vector.shape_cast %mul3A_493 : vector<16xf32> to vector<1x16xf32>
      tpu.vector_store %arg6[%swap3A_494, %swap3A_495], %swap3A_498 {strides = array<i32>} : memref<16x1024xf32, #tpu.memory_space<vmem>>, vector<1x16xf32>,
      %get3A_499 = arith.index_cast %scan3A_20 : i32 to index
      %get3A_500 = arith.constant 640 : index
      %get3A_501 = tpu.vector_load %arg6[%get3A_499, %get3A_500] {strides = array<i32>} : memref<16x1024xf32, #tpu.memory_space<vmem>>, vector<1x16xf32>,
      %get3A_502 = vector.shape_cast %get3A_501 : vector<1x16xf32> to vector<16xf32>
      %mul3A_503 = arith.constant 3.200000e+01 : f32
      %mul3A_504 = vector.broadcast %mul3A_503 : f32 to vector<16xf32>
      %mul3A_505 = arith.mulf %get3A_502, %mul3A_504 : vector<16xf32>
      %swap3A_506 = arith.index_cast %scan3A_20 : i32 to index
      %swap3A_507 = arith.constant 640 : index
      %swap3A_508 = tpu.vector_load %arg6[%swap3A_506, %swap3A_507] {strides = array<i32>} : memref<16x1024xf32, #tpu.memory_space<vmem>>, vector<1x16xf32>,
      %swap3A_509 = vector.shape_cast %swap3A_508 : vector<1x16xf32> to vector<16xf32>
      %swap3A_510 = vector.shape_cast %mul3A_505 : vector<16xf32> to vector<1x16xf32>
      tpu.vector_store %arg6[%swap3A_506, %swap3A_507], %swap3A_510 {strides = array<i32>} : memref<16x1024xf32, #tpu.memory_space<vmem>>, vector<1x16xf32>,
      %get3A_511 = arith.index_cast %scan3A_20 : i32 to index
      %get3A_512 = arith.constant 656 : index
      %get3A_513 = tpu.vector_load %arg6[%get3A_511, %get3A_512] {strides = array<i32>} : memref<16x1024xf32, #tpu.memory_space<vmem>>, vector<1x16xf32>,
      %get3A_514 = vector.shape_cast %get3A_513 : vector<1x16xf32> to vector<16xf32>
      %mul3A_515 = arith.constant 3.200000e+01 : f32
      %mul3A_516 = vector.broadcast %mul3A_515 : f32 to vector<16xf32>
      %mul3A_517 = arith.mulf %get3A_514, %mul3A_516 : vector<16xf32>
      %swap3A_518 = arith.index_cast %scan3A_20 : i32 to index
      %swap3A_519 = arith.constant 656 : index
      %swap3A_520 = tpu.vector_load %arg6[%swap3A_518, %swap3A_519] {strides = array<i32>} : memref<16x1024xf32, #tpu.memory_space<vmem>>, vector<1x16xf32>,
      %swap3A_521 = vector.shape_cast %swap3A_520 : vector<1x16xf32> to vector<16xf32>
      %swap3A_522 = vector.shape_cast %mul3A_517 : vector<16xf32> to vector<1x16xf32>
      tpu.vector_store %arg6[%swap3A_518, %swap3A_519], %swap3A_522 {strides = array<i32>} : memref<16x1024xf32, #tpu.memory_space<vmem>>, vector<1x16xf32>,
      %get3A_523 = arith.index_cast %scan3A_20 : i32 to index
      %get3A_524 = arith.constant 672 : index
      %get3A_525 = tpu.vector_load %arg6[%get3A_523, %get3A_524] {strides = array<i32>} : memref<16x1024xf32, #tpu.memory_space<vmem>>, vector<1x16xf32>,
      %get3A_526 = vector.shape_cast %get3A_525 : vector<1x16xf32> to vector<16xf32>
      %mul3A_527 = arith.constant 3.200000e+01 : f32
      %mul3A_528 = vector.broadcast %mul3A_527 : f32 to vector<16xf32>
      %mul3A_529 = arith.mulf %get3A_526, %mul3A_528 : vector<16xf32>
      %swap3A_530 = arith.index_cast %scan3A_20 : i32 to index
      %swap3A_531 = arith.constant 672 : index
      %swap3A_532 = tpu.vector_load %arg6[%swap3A_530, %swap3A_531] {strides = array<i32>} : memref<16x1024xf32, #tpu.memory_space<vmem>>, vector<1x16xf32>,
      %swap3A_533 = vector.shape_cast %swap3A_532 : vector<1x16xf32> to vector<16xf32>
      %swap3A_534 = vector.shape_cast %mul3A_529 : vector<16xf32> to vector<1x16xf32>
      tpu.vector_store %arg6[%swap3A_530, %swap3A_531], %swap3A_534 {strides = array<i32>} : memref<16x1024xf32, #tpu.memory_space<vmem>>, vector<1x16xf32>,
      %get3A_535 = arith.index_cast %scan3A_20 : i32 to index
      %get3A_536 = arith.constant 688 : index
      %get3A_537 = tpu.vector_load %arg6[%get3A_535, %get3A_536] {strides = array<i32>} : memref<16x1024xf32, #tpu.memory_space<vmem>>, vector<1x16xf32>,
      %get3A_538 = vector.shape_cast %get3A_537 : vector<1x16xf32> to vector<16xf32>
      %mul3A_539 = arith.constant 3.200000e+01 : f32
      %mul3A_540 = vector.broadcast %mul3A_539 : f32 to vector<16xf32>
      %mul3A_541 = arith.mulf %get3A_538, %mul3A_540 : vector<16xf32>
      %swap3A_542 = arith.index_cast %scan3A_20 : i32 to index
      %swap3A_543 = arith.constant 688 : index
      %swap3A_544 = tpu.vector_load %arg6[%swap3A_542, %swap3A_543] {strides = array<i32>} : memref<16x1024xf32, #tpu.memory_space<vmem>>, vector<1x16xf32>,
      %swap3A_545 = vector.shape_cast %swap3A_544 : vector<1x16xf32> to vector<16xf32>
      %swap3A_546 = vector.shape_cast %mul3A_541 : vector<16xf32> to vector<1x16xf32>
      tpu.vector_store %arg6[%swap3A_542, %swap3A_543], %swap3A_546 {strides = array<i32>} : memref<16x1024xf32, #tpu.memory_space<vmem>>, vector<1x16xf32>,
      %get3A_547 = arith.index_cast %scan3A_20 : i32 to index
      %get3A_548 = arith.constant 704 : index
      %get3A_549 = tpu.vector_load %arg6[%get3A_547, %get3A_548] {strides = array<i32>} : memref<16x1024xf32, #tpu.memory_space<vmem>>, vector<1x16xf32>,
      %get3A_550 = vector.shape_cast %get3A_549 : vector<1x16xf32> to vector<16xf32>
      %mul3A_551 = arith.constant 3.200000e+01 : f32
      %mul3A_552 = vector.broadcast %mul3A_551 : f32 to vector<16xf32>
      %mul3A_553 = arith.mulf %get3A_550, %mul3A_552 : vector<16xf32>
      %swap3A_554 = arith.index_cast %scan3A_20 : i32 to index
      %swap3A_555 = arith.constant 704 : index
      %swap3A_556 = tpu.vector_load %arg6[%swap3A_554, %swap3A_555] {strides = array<i32>} : memref<16x1024xf32, #tpu.memory_space<vmem>>, vector<1x16xf32>,
      %swap3A_557 = vector.shape_cast %swap3A_556 : vector<1x16xf32> to vector<16xf32>
      %swap3A_558 = vector.shape_cast %mul3A_553 : vector<16xf32> to vector<1x16xf32>
      tpu.vector_store %arg6[%swap3A_554, %swap3A_555], %swap3A_558 {strides = array<i32>} : memref<16x1024xf32, #tpu.memory_space<vmem>>, vector<1x16xf32>,
      %get3A_559 = arith.index_cast %scan3A_20 : i32 to index
      %get3A_560 = arith.constant 720 : index
      %get3A_561 = tpu.vector_load %arg6[%get3A_559, %get3A_560] {strides = array<i32>} : memref<16x1024xf32, #tpu.memory_space<vmem>>, vector<1x16xf32>,
      %get3A_562 = vector.shape_cast %get3A_561 : vector<1x16xf32> to vector<16xf32>
      %mul3A_563 = arith.constant 3.200000e+01 : f32
      %mul3A_564 = vector.broadcast %mul3A_563 : f32 to vector<16xf32>
      %mul3A_565 = arith.mulf %get3A_562, %mul3A_564 : vector<16xf32>
      %swap3A_566 = arith.index_cast %scan3A_20 : i32 to index
      %swap3A_567 = arith.constant 720 : index
      %swap3A_568 = tpu.vector_load %arg6[%swap3A_566, %swap3A_567] {strides = array<i32>} : memref<16x1024xf32, #tpu.memory_space<vmem>>, vector<1x16xf32>,
      %swap3A_569 = vector.shape_cast %swap3A_568 : vector<1x16xf32> to vector<16xf32>
      %swap3A_570 = vector.shape_cast %mul3A_565 : vector<16xf32> to vector<1x16xf32>
      tpu.vector_store %arg6[%swap3A_566, %swap3A_567], %swap3A_570 {strides = array<i32>} : memref<16x1024xf32, #tpu.memory_space<vmem>>, vector<1x16xf32>,
      %get3A_571 = arith.index_cast %scan3A_20 : i32 to index
      %get3A_572 = arith.constant 736 : index
      %get3A_573 = tpu.vector_load %arg6[%get3A_571, %get3A_572] {strides = array<i32>} : memref<16x1024xf32, #tpu.memory_space<vmem>>, vector<1x16xf32>,
      %get3A_574 = vector.shape_cast %get3A_573 : vector<1x16xf32> to vector<16xf32>
      %mul3A_575 = arith.constant 3.200000e+01 : f32
      %mul3A_576 = vector.broadcast %mul3A_575 : f32 to vector<16xf32>
      %mul3A_577 = arith.mulf %get3A_574, %mul3A_576 : vector<16xf32>
      %swap3A_578 = arith.index_cast %scan3A_20 : i32 to index
      %swap3A_579 = arith.constant 736 : index
      %swap3A_580 = tpu.vector_load %arg6[%swap3A_578, %swap3A_579] {strides = array<i32>} : memref<16x1024xf32, #tpu.memory_space<vmem>>, vector<1x16xf32>,
      %swap3A_581 = vector.shape_cast %swap3A_580 : vector<1x16xf32> to vector<16xf32>
      %swap3A_582 = vector.shape_cast %mul3A_577 : vector<16xf32> to vector<1x16xf32>
      tpu.vector_store %arg6[%swap3A_578, %swap3A_579], %swap3A_582 {strides = array<i32>} : memref<16x1024xf32, #tpu.memory_space<vmem>>, vector<1x16xf32>,
      %get3A_583 = arith.index_cast %scan3A_20 : i32 to index
      %get3A_584 = arith.constant 752 : index
      %get3A_585 = tpu.vector_load %arg6[%get3A_583, %get3A_584] {strides = array<i32>} : memref<16x1024xf32, #tpu.memory_space<vmem>>, vector<1x16xf32>,
      %get3A_586 = vector.shape_cast %get3A_585 : vector<1x16xf32> to vector<16xf32>
      %mul3A_587 = arith.constant 3.200000e+01 : f32
      %mul3A_588 = vector.broadcast %mul3A_587 : f32 to vector<16xf32>
      %mul3A_589 = arith.mulf %get3A_586, %mul3A_588 : vector<16xf32>
      %swap3A_590 = arith.index_cast %scan3A_20 : i32 to index
      %swap3A_591 = arith.constant 752 : index
      %swap3A_592 = tpu.vector_load %arg6[%swap3A_590, %swap3A_591] {strides = array<i32>} : memref<16x1024xf32, #tpu.memory_space<vmem>>, vector<1x16xf32>,
      %swap3A_593 = vector.shape_cast %swap3A_592 : vector<1x16xf32> to vector<16xf32>
      %swap3A_594 = vector.shape_cast %mul3A_589 : vector<16xf32> to vector<1x16xf32>
      tpu.vector_store %arg6[%swap3A_590, %swap3A_591], %swap3A_594 {strides = array<i32>} : memref<16x1024xf32, #tpu.memory_space<vmem>>, vector<1x16xf32>,
      %get3A_595 = arith.index_cast %scan3A_20 : i32 to index
      %get3A_596 = arith.constant 768 : index
      %get3A_597 = tpu.vector_load %arg6[%get3A_595, %get3A_596] {strides = array<i32>} : memref<16x1024xf32, #tpu.memory_space<vmem>>, vector<1x16xf32>,
      %get3A_598 = vector.shape_cast %get3A_597 : vector<1x16xf32> to vector<16xf32>
      %mul3A_599 = arith.constant 3.200000e+01 : f32
      %mul3A_600 = vector.broadcast %mul3A_599 : f32 to vector<16xf32>
      %mul3A_601 = arith.mulf %get3A_598, %mul3A_600 : vector<16xf32>
      %swap3A_602 = arith.index_cast %scan3A_20 : i32 to index
      %swap3A_603 = arith.constant 768 : index
      %swap3A_604 = tpu.vector_load %arg6[%swap3A_602, %swap3A_603] {strides = array<i32>} : memref<16x1024xf32, #tpu.memory_space<vmem>>, vector<1x16xf32>,
      %swap3A_605 = vector.shape_cast %swap3A_604 : vector<1x16xf32> to vector<16xf32>
      %swap3A_606 = vector.shape_cast %mul3A_601 : vector<16xf32> to vector<1x16xf32>
      tpu.vector_store %arg6[%swap3A_602, %swap3A_603], %swap3A_606 {strides = array<i32>} : memref<16x1024xf32, #tpu.memory_space<vmem>>, vector<1x16xf32>,
      %get3A_607 = arith.index_cast %scan3A_20 : i32 to index
      %get3A_608 = arith.constant 784 : index
      %get3A_609 = tpu.vector_load %arg6[%get3A_607, %get3A_608] {strides = array<i32>} : memref<16x1024xf32, #tpu.memory_space<vmem>>, vector<1x16xf32>,
      %get3A_610 = vector.shape_cast %get3A_609 : vector<1x16xf32> to vector<16xf32>
      %mul3A_611 = arith.constant 3.200000e+01 : f32
      %mul3A_612 = vector.broadcast %mul3A_611 : f32 to vector<16xf32>
      %mul3A_613 = arith.mulf %get3A_610, %mul3A_612 : vector<16xf32>
      %swap3A_614 = arith.index_cast %scan3A_20 : i32 to index
      %swap3A_615 = arith.constant 784 : index
      %swap3A_616 = tpu.vector_load %arg6[%swap3A_614, %swap3A_615] {strides = array<i32>} : memref<16x1024xf32, #tpu.memory_space<vmem>>, vector<1x16xf32>,
      %swap3A_617 = vector.shape_cast %swap3A_616 : vector<1x16xf32> to vector<16xf32>
      %swap3A_618 = vector.shape_cast %mul3A_613 : vector<16xf32> to vector<1x16xf32>
      tpu.vector_store %arg6[%swap3A_614, %swap3A_615], %swap3A_618 {strides = array<i32>} : memref<16x1024xf32, #tpu.memory_space<vmem>>, vector<1x16xf32>,
      %get3A_619 = arith.index_cast %scan3A_20 : i32 to index
      %get3A_620 = arith.constant 800 : index
      %get3A_621 = tpu.vector_load %arg6[%get3A_619, %get3A_620] {strides = array<i32>} : memref<16x1024xf32, #tpu.memory_space<vmem>>, vector<1x16xf32>,
      %get3A_622 = vector.shape_cast %get3A_621 : vector<1x16xf32> to vector<16xf32>
      %mul3A_623 = arith.constant 3.200000e+01 : f32
      %mul3A_624 = vector.broadcast %mul3A_623 : f32 to vector<16xf32>
      %mul3A_625 = arith.mulf %get3A_622, %mul3A_624 : vector<16xf32>
      %swap3A_626 = arith.index_cast %scan3A_20 : i32 to index
      %swap3A_627 = arith.constant 800 : index
      %swap3A_628 = tpu.vector_load %arg6[%swap3A_626, %swap3A_627] {strides = array<i32>} : memref<16x1024xf32, #tpu.memory_space<vmem>>, vector<1x16xf32>,
      %swap3A_629 = vector.shape_cast %swap3A_628 : vector<1x16xf32> to vector<16xf32>
      %swap3A_630 = vector.shape_cast %mul3A_625 : vector<16xf32> to vector<1x16xf32>
      tpu.vector_store %arg6[%swap3A_626, %swap3A_627], %swap3A_630 {strides = array<i32>} : memref<16x1024xf32, #tpu.memory_space<vmem>>, vector<1x16xf32>,
      %get3A_631 = arith.index_cast %scan3A_20 : i32 to index
      %get3A_632 = arith.constant 816 : index
      %get3A_633 = tpu.vector_load %arg6[%get3A_631, %get3A_632] {strides = array<i32>} : memref<16x1024xf32, #tpu.memory_space<vmem>>, vector<1x16xf32>,
      %get3A_634 = vector.shape_cast %get3A_633 : vector<1x16xf32> to vector<16xf32>
      %mul3A_635 = arith.constant 3.200000e+01 : f32
      %mul3A_636 = vector.broadcast %mul3A_635 : f32 to vector<16xf32>
      %mul3A_637 = arith.mulf %get3A_634, %mul3A_636 : vector<16xf32>
      %swap3A_638 = arith.index_cast %scan3A_20 : i32 to index
      %swap3A_639 = arith.constant 816 : index
      %swap3A_640 = tpu.vector_load %arg6[%swap3A_638, %swap3A_639] {strides = array<i32>} : memref<16x1024xf32, #tpu.memory_space<vmem>>, vector<1x16xf32>,
      %swap3A_641 = vector.shape_cast %swap3A_640 : vector<1x16xf32> to vector<16xf32>
      %swap3A_642 = vector.shape_cast %mul3A_637 : vector<16xf32> to vector<1x16xf32>
      tpu.vector_store %arg6[%swap3A_638, %swap3A_639], %swap3A_642 {strides = array<i32>} : memref<16x1024xf32, #tpu.memory_space<vmem>>, vector<1x16xf32>,
      %get3A_643 = arith.index_cast %scan3A_20 : i32 to index
      %get3A_644 = arith.constant 832 : index
      %get3A_645 = tpu.vector_load %arg6[%get3A_643, %get3A_644] {strides = array<i32>} : memref<16x1024xf32, #tpu.memory_space<vmem>>, vector<1x16xf32>,
      %get3A_646 = vector.shape_cast %get3A_645 : vector<1x16xf32> to vector<16xf32>
      %mul3A_647 = arith.constant 3.200000e+01 : f32
      %mul3A_648 = vector.broadcast %mul3A_647 : f32 to vector<16xf32>
      %mul3A_649 = arith.mulf %get3A_646, %mul3A_648 : vector<16xf32>
      %swap3A_650 = arith.index_cast %scan3A_20 : i32 to index
      %swap3A_651 = arith.constant 832 : index
      %swap3A_652 = tpu.vector_load %arg6[%swap3A_650, %swap3A_651] {strides = array<i32>} : memref<16x1024xf32, #tpu.memory_space<vmem>>, vector<1x16xf32>,
      %swap3A_653 = vector.shape_cast %swap3A_652 : vector<1x16xf32> to vector<16xf32>
      %swap3A_654 = vector.shape_cast %mul3A_649 : vector<16xf32> to vector<1x16xf32>
      tpu.vector_store %arg6[%swap3A_650, %swap3A_651], %swap3A_654 {strides = array<i32>} : memref<16x1024xf32, #tpu.memory_space<vmem>>, vector<1x16xf32>,
      %get3A_655 = arith.index_cast %scan3A_20 : i32 to index
      %get3A_656 = arith.constant 848 : index
      %get3A_657 = tpu.vector_load %arg6[%get3A_655, %get3A_656] {strides = array<i32>} : memref<16x1024xf32, #tpu.memory_space<vmem>>, vector<1x16xf32>,
      %get3A_658 = vector.shape_cast %get3A_657 : vector<1x16xf32> to vector<16xf32>
      %mul3A_659 = arith.constant 3.200000e+01 : f32
      %mul3A_660 = vector.broadcast %mul3A_659 : f32 to vector<16xf32>
      %mul3A_661 = arith.mulf %get3A_658, %mul3A_660 : vector<16xf32>
      %swap3A_662 = arith.index_cast %scan3A_20 : i32 to index
      %swap3A_663 = arith.constant 848 : index
      %swap3A_664 = tpu.vector_load %arg6[%swap3A_662, %swap3A_663] {strides = array<i32>} : memref<16x1024xf32, #tpu.memory_space<vmem>>, vector<1x16xf32>,
      %swap3A_665 = vector.shape_cast %swap3A_664 : vector<1x16xf32> to vector<16xf32>
      %swap3A_666 = vector.shape_cast %mul3A_661 : vector<16xf32> to vector<1x16xf32>
      tpu.vector_store %arg6[%swap3A_662, %swap3A_663], %swap3A_666 {strides = array<i32>} : memref<16x1024xf32, #tpu.memory_space<vmem>>, vector<1x16xf32>,
      %get3A_667 = arith.index_cast %scan3A_20 : i32 to index
      %get3A_668 = arith.constant 864 : index
      %get3A_669 = tpu.vector_load %arg6[%get3A_667, %get3A_668] {strides = array<i32>} : memref<16x1024xf32, #tpu.memory_space<vmem>>, vector<1x16xf32>,
      %get3A_670 = vector.shape_cast %get3A_669 : vector<1x16xf32> to vector<16xf32>
      %mul3A_671 = arith.constant 3.200000e+01 : f32
      %mul3A_672 = vector.broadcast %mul3A_671 : f32 to vector<16xf32>
      %mul3A_673 = arith.mulf %get3A_670, %mul3A_672 : vector<16xf32>
      %swap3A_674 = arith.index_cast %scan3A_20 : i32 to index
      %swap3A_675 = arith.constant 864 : index
      %swap3A_676 = tpu.vector_load %arg6[%swap3A_674, %swap3A_675] {strides = array<i32>} : memref<16x1024xf32, #tpu.memory_space<vmem>>, vector<1x16xf32>,
      %swap3A_677 = vector.shape_cast %swap3A_676 : vector<1x16xf32> to vector<16xf32>
      %swap3A_678 = vector.shape_cast %mul3A_673 : vector<16xf32> to vector<1x16xf32>
      tpu.vector_store %arg6[%swap3A_674, %swap3A_675], %swap3A_678 {strides = array<i32>} : memref<16x1024xf32, #tpu.memory_space<vmem>>, vector<1x16xf32>,
      %get3A_679 = arith.index_cast %scan3A_20 : i32 to index
      %get3A_680 = arith.constant 880 : index
      %get3A_681 = tpu.vector_load %arg6[%get3A_679, %get3A_680] {strides = array<i32>} : memref<16x1024xf32, #tpu.memory_space<vmem>>, vector<1x16xf32>,
      %get3A_682 = vector.shape_cast %get3A_681 : vector<1x16xf32> to vector<16xf32>
      %mul3A_683 = arith.constant 3.200000e+01 : f32
      %mul3A_684 = vector.broadcast %mul3A_683 : f32 to vector<16xf32>
      %mul3A_685 = arith.mulf %get3A_682, %mul3A_684 : vector<16xf32>
      %swap3A_686 = arith.index_cast %scan3A_20 : i32 to index
      %swap3A_687 = arith.constant 880 : index
      %swap3A_688 = tpu.vector_load %arg6[%swap3A_686, %swap3A_687] {strides = array<i32>} : memref<16x1024xf32, #tpu.memory_space<vmem>>, vector<1x16xf32>,
      %swap3A_689 = vector.shape_cast %swap3A_688 : vector<1x16xf32> to vector<16xf32>
      %swap3A_690 = vector.shape_cast %mul3A_685 : vector<16xf32> to vector<1x16xf32>
      tpu.vector_store %arg6[%swap3A_686, %swap3A_687], %swap3A_690 {strides = array<i32>} : memref<16x1024xf32, #tpu.memory_space<vmem>>, vector<1x16xf32>,
      %get3A_691 = arith.index_cast %scan3A_20 : i32 to index
      %get3A_692 = arith.constant 896 : index
      %get3A_693 = tpu.vector_load %arg6[%get3A_691, %get3A_692] {strides = array<i32>} : memref<16x1024xf32, #tpu.memory_space<vmem>>, vector<1x16xf32>,
      %get3A_694 = vector.shape_cast %get3A_693 : vector<1x16xf32> to vector<16xf32>
      %mul3A_695 = arith.constant 3.200000e+01 : f32
      %mul3A_696 = vector.broadcast %mul3A_695 : f32 to vector<16xf32>
      %mul3A_697 = arith.mulf %get3A_694, %mul3A_696 : vector<16xf32>
      %swap3A_698 = arith.index_cast %scan3A_20 : i32 to index
      %swap3A_699 = arith.constant 896 : index
      %swap3A_700 = tpu.vector_load %arg6[%swap3A_698, %swap3A_699] {strides = array<i32>} : memref<16x1024xf32, #tpu.memory_space<vmem>>, vector<1x16xf32>,
      %swap3A_701 = vector.shape_cast %swap3A_700 : vector<1x16xf32> to vector<16xf32>
      %swap3A_702 = vector.shape_cast %mul3A_697 : vector<16xf32> to vector<1x16xf32>
      tpu.vector_store %arg6[%swap3A_698, %swap3A_699], %swap3A_702 {strides = array<i32>} : memref<16x1024xf32, #tpu.memory_space<vmem>>, vector<1x16xf32>,
      %get3A_703 = arith.index_cast %scan3A_20 : i32 to index
      %get3A_704 = arith.constant 912 : index
      %get3A_705 = tpu.vector_load %arg6[%get3A_703, %get3A_704] {strides = array<i32>} : memref<16x1024xf32, #tpu.memory_space<vmem>>, vector<1x16xf32>,
      %get3A_706 = vector.shape_cast %get3A_705 : vector<1x16xf32> to vector<16xf32>
      %mul3A_707 = arith.constant 3.200000e+01 : f32
      %mul3A_708 = vector.broadcast %mul3A_707 : f32 to vector<16xf32>
      %mul3A_709 = arith.mulf %get3A_706, %mul3A_708 : vector<16xf32>
      %swap3A_710 = arith.index_cast %scan3A_20 : i32 to index
      %swap3A_711 = arith.constant 912 : index
      %swap3A_712 = tpu.vector_load %arg6[%swap3A_710, %swap3A_711] {strides = array<i32>} : memref<16x1024xf32, #tpu.memory_space<vmem>>, vector<1x16xf32>,
      %swap3A_713 = vector.shape_cast %swap3A_712 : vector<1x16xf32> to vector<16xf32>
      %swap3A_714 = vector.shape_cast %mul3A_709 : vector<16xf32> to vector<1x16xf32>
      tpu.vector_store %arg6[%swap3A_710, %swap3A_711], %swap3A_714 {strides = array<i32>} : memref<16x1024xf32, #tpu.memory_space<vmem>>, vector<1x16xf32>,
      %get3A_715 = arith.index_cast %scan3A_20 : i32 to index
      %get3A_716 = arith.constant 928 : index
      %get3A_717 = tpu.vector_load %arg6[%get3A_715, %get3A_716] {strides = array<i32>} : memref<16x1024xf32, #tpu.memory_space<vmem>>, vector<1x16xf32>,
      %get3A_718 = vector.shape_cast %get3A_717 : vector<1x16xf32> to vector<16xf32>
      %mul3A_719 = arith.constant 3.200000e+01 : f32
      %mul3A_720 = vector.broadcast %mul3A_719 : f32 to vector<16xf32>
      %mul3A_721 = arith.mulf %get3A_718, %mul3A_720 : vector<16xf32>
      %swap3A_722 = arith.index_cast %scan3A_20 : i32 to index
      %swap3A_723 = arith.constant 928 : index
      %swap3A_724 = tpu.vector_load %arg6[%swap3A_722, %swap3A_723] {strides = array<i32>} : memref<16x1024xf32, #tpu.memory_space<vmem>>, vector<1x16xf32>,
      %swap3A_725 = vector.shape_cast %swap3A_724 : vector<1x16xf32> to vector<16xf32>
      %swap3A_726 = vector.shape_cast %mul3A_721 : vector<16xf32> to vector<1x16xf32>
      tpu.vector_store %arg6[%swap3A_722, %swap3A_723], %swap3A_726 {strides = array<i32>} : memref<16x1024xf32, #tpu.memory_space<vmem>>, vector<1x16xf32>,
      %get3A_727 = arith.index_cast %scan3A_20 : i32 to index
      %get3A_728 = arith.constant 944 : index
      %get3A_729 = tpu.vector_load %arg6[%get3A_727, %get3A_728] {strides = array<i32>} : memref<16x1024xf32, #tpu.memory_space<vmem>>, vector<1x16xf32>,
      %get3A_730 = vector.shape_cast %get3A_729 : vector<1x16xf32> to vector<16xf32>
      %mul3A_731 = arith.constant 3.200000e+01 : f32
      %mul3A_732 = vector.broadcast %mul3A_731 : f32 to vector<16xf32>
      %mul3A_733 = arith.mulf %get3A_730, %mul3A_732 : vector<16xf32>
      %swap3A_734 = arith.index_cast %scan3A_20 : i32 to index
      %swap3A_735 = arith.constant 944 : index
      %swap3A_736 = tpu.vector_load %arg6[%swap3A_734, %swap3A_735] {strides = array<i32>} : memref<16x1024xf32, #tpu.memory_space<vmem>>, vector<1x16xf32>,
      %swap3A_737 = vector.shape_cast %swap3A_736 : vector<1x16xf32> to vector<16xf32>
      %swap3A_738 = vector.shape_cast %mul3A_733 : vector<16xf32> to vector<1x16xf32>
      tpu.vector_store %arg6[%swap3A_734, %swap3A_735], %swap3A_738 {strides = array<i32>} : memref<16x1024xf32, #tpu.memory_space<vmem>>, vector<1x16xf32>,
      %get3A_739 = arith.index_cast %scan3A_20 : i32 to index
      %get3A_740 = arith.constant 960 : index
      %get3A_741 = tpu.vector_load %arg6[%get3A_739, %get3A_740] {strides = array<i32>} : memref<16x1024xf32, #tpu.memory_space<vmem>>, vector<1x16xf32>,
      %get3A_742 = vector.shape_cast %get3A_741 : vector<1x16xf32> to vector<16xf32>
      %mul3A_743 = arith.constant 3.200000e+01 : f32
      %mul3A_744 = vector.broadcast %mul3A_743 : f32 to vector<16xf32>
      %mul3A_745 = arith.mulf %get3A_742, %mul3A_744 : vector<16xf32>
      %swap3A_746 = arith.index_cast %scan3A_20 : i32 to index
      %swap3A_747 = arith.constant 960 : index
      %swap3A_748 = tpu.vector_load %arg6[%swap3A_746, %swap3A_747] {strides = array<i32>} : memref<16x1024xf32, #tpu.memory_space<vmem>>, vector<1x16xf32>,
      %swap3A_749 = vector.shape_cast %swap3A_748 : vector<1x16xf32> to vector<16xf32>
      %swap3A_750 = vector.shape_cast %mul3A_745 : vector<16xf32> to vector<1x16xf32>
      tpu.vector_store %arg6[%swap3A_746, %swap3A_747], %swap3A_750 {strides = array<i32>} : memref<16x1024xf32, #tpu.memory_space<vmem>>, vector<1x16xf32>,
      %get3A_751 = arith.index_cast %scan3A_20 : i32 to index
      %get3A_752 = arith.constant 976 : index
      %get3A_753 = tpu.vector_load %arg6[%get3A_751, %get3A_752] {strides = array<i32>} : memref<16x1024xf32, #tpu.memory_space<vmem>>, vector<1x16xf32>,
      %get3A_754 = vector.shape_cast %get3A_753 : vector<1x16xf32> to vector<16xf32>
      %mul3A_755 = arith.constant 3.200000e+01 : f32
      %mul3A_756 = vector.broadcast %mul3A_755 : f32 to vector<16xf32>
      %mul3A_757 = arith.mulf %get3A_754, %mul3A_756 : vector<16xf32>
      %swap3A_758 = arith.index_cast %scan3A_20 : i32 to index
      %swap3A_759 = arith.constant 976 : index
      %swap3A_760 = tpu.vector_load %arg6[%swap3A_758, %swap3A_759] {strides = array<i32>} : memref<16x1024xf32, #tpu.memory_space<vmem>>, vector<1x16xf32>,
      %swap3A_761 = vector.shape_cast %swap3A_760 : vector<1x16xf32> to vector<16xf32>
      %swap3A_762 = vector.shape_cast %mul3A_757 : vector<16xf32> to vector<1x16xf32>
      tpu.vector_store %arg6[%swap3A_758, %swap3A_759], %swap3A_762 {strides = array<i32>} : memref<16x1024xf32, #tpu.memory_space<vmem>>, vector<1x16xf32>,
      %get3A_763 = arith.index_cast %scan3A_20 : i32 to index
      %get3A_764 = arith.constant 992 : index
      %get3A_765 = tpu.vector_load %arg6[%get3A_763, %get3A_764] {strides = array<i32>} : memref<16x1024xf32, #tpu.memory_space<vmem>>, vector<1x16xf32>,
      %get3A_766 = vector.shape_cast %get3A_765 : vector<1x16xf32> to vector<16xf32>
      %mul3A_767 = arith.constant 3.200000e+01 : f32
      %mul3A_768 = vector.broadcast %mul3A_767 : f32 to vector<16xf32>
      %mul3A_769 = arith.mulf %get3A_766, %mul3A_768 : vector<16xf32>
      %swap3A_770 = arith.index_cast %scan3A_20 : i32 to index
      %swap3A_771 = arith.constant 992 : index
      %swap3A_772 = tpu.vector_load %arg6[%swap3A_770, %swap3A_771] {strides = array<i32>} : memref<16x1024xf32, #tpu.memory_space<vmem>>, vector<1x16xf32>,
      %swap3A_773 = vector.shape_cast %swap3A_772 : vector<1x16xf32> to vector<16xf32>
      %swap3A_774 = vector.shape_cast %mul3A_769 : vector<16xf32> to vector<1x16xf32>
      tpu.vector_store %arg6[%swap3A_770, %swap3A_771], %swap3A_774 {strides = array<i32>} : memref<16x1024xf32, #tpu.memory_space<vmem>>, vector<1x16xf32>,
      %get3A_775 = arith.index_cast %scan3A_20 : i32 to index
      %get3A_776 = arith.constant 1008 : index
      %get3A_777 = tpu.vector_load %arg6[%get3A_775, %get3A_776] {strides = array<i32>} : memref<16x1024xf32, #tpu.memory_space<vmem>>, vector<1x16xf32>,
      %get3A_778 = vector.shape_cast %get3A_777 : vector<1x16xf32> to vector<16xf32>
      %mul3A_779 = arith.constant 3.200000e+01 : f32
      %mul3A_780 = vector.broadcast %mul3A_779 : f32 to vector<16xf32>
      %mul3A_781 = arith.mulf %get3A_778, %mul3A_780 : vector<16xf32>
      %swap3A_782 = arith.index_cast %scan3A_20 : i32 to index
      %swap3A_783 = arith.constant 1008 : index
      %swap3A_784 = tpu.vector_load %arg6[%swap3A_782, %swap3A_783] {strides = array<i32>} : memref<16x1024xf32, #tpu.memory_space<vmem>>, vector<1x16xf32>,
      %swap3A_785 = vector.shape_cast %swap3A_784 : vector<1x16xf32> to vector<16xf32>
      %swap3A_786 = vector.shape_cast %mul3A_781 : vector<16xf32> to vector<1x16xf32>
      tpu.vector_store %arg6[%swap3A_782, %swap3A_783], %swap3A_786 {strides = array<i32>} : memref<16x1024xf32, #tpu.memory_space<vmem>>, vector<1x16xf32>,
    }
    %scan3A_7 = arith.constant 16 : i32
    %scan3A_8 = arith.constant 0 : i32
    %scan3A_9 = arith.constant 0 : i32
    %scan3A_10 = arith.constant 1024 : i32
    %scan3A_11 = arith.addi %scan3A_9, %scan3A_10 : i32
    %scan3A_12 = arith.constant 1 : i32
    scf.for %scan3A_20 = %scan3A_9 to %scan3A_11 step %scan3A_12  : i32 {
      %get3A = arith.index_cast %scan3A_20 : i32 to index
      %get3A_21 = tpu.vector_load %arg5[%get3A] {strides = array<i32>} : memref<1040xi32, #tpu.memory_space<vmem>>, vector<16xi32>,
      %get3A_22 = vector.shape_cast %get3A_21 : vector<16xi32> to vector<16xi32>
      %slice3A = vector.extract_strided_slice %get3A_22 {offsets = [0], sizes = [1], strides = [1]} : vector<16xi32> to vector<1xi32>
      %squeeze3A = vector.extract %slice3A[0] : i32 from vector<1xi32>
      %add3A_23 = arith.addi %mul3A_2, %scan3A_20 : i32
      %dma_start3A = arith.constant 0 : i32
      %dma_start3A_24 = tpu.memref_slice %arg6[%squeeze3A, %dma_start3A] : memref<16x1024xf32, #tpu.memory_space<vmem>> -> memref<1x1024xf32, #tpu.memory_space<vmem>>
      %dma_start3A_25 = tpu.memref_squeeze %dma_start3A_24 : memref<1x1024xf32, #tpu.memory_space<vmem>> -> memref<1024xf32, #tpu.memory_space<vmem>>
      %dma_start3A_26 = arith.constant 0 : i32
      %dma_start3A_27 = tpu.memref_slice %arg4[%add3A_23, %dma_start3A_26] : memref<32768x1024xf32, #tpu.memory_space<hbm>> -> memref<1x1024xf32, #tpu.memory_space<hbm>>
      %dma_start3A_28 = tpu.memref_squeeze %dma_start3A_27 : memref<1x1024xf32, #tpu.memory_space<hbm>> -> memref<1024xf32, #tpu.memory_space<hbm>>
      %dma_start3A_29 = arith.constant 0 : i32
      %dma_start3A_30 = tpu.memref_slice %arg4[%add3A_23, %dma_start3A_29] : memref<32768x1024xf32, #tpu.memory_space<hbm>> -> memref<1x1024xf32, #tpu.memory_space<hbm>>
      %dma_start3A_31 = tpu.memref_squeeze %dma_start3A_30 : memref<1x1024xf32, #tpu.memory_space<hbm>> -> memref<1024xf32, #tpu.memory_space<hbm>>
      %dma_start3A_32 = arith.constant 0 : i32
      %dma_start3A_33 = tpu.memref_slice %arg6[%squeeze3A, %dma_start3A_32] : memref<16x1024xf32, #tpu.memory_space<vmem>> -> memref<1x1024xf32, #tpu.memory_space<vmem>>
      %dma_start3A_34 = tpu.memref_squeeze %dma_start3A_33 : memref<1x1024xf32, #tpu.memory_space<vmem>> -> memref<1024xf32, #tpu.memory_space<vmem>>
      tpu.enqueue_dma source(%dma_start3A_34 : memref<1024xf32, #tpu.memory_space<vmem>>) target(%dma_start3A_31 : memref<1024xf32, #tpu.memory_space<hbm>>) target_semaphore(%arg7 : memref<!tpu.dma_semaphore, #tpu.memory_space<semaphore_mem>>)
    }
    %scan3A_13 = arith.constant 1024 : i32
    %scan3A_14 = arith.constant 0 : i32
    %scan3A_15 = arith.constant 0 : i32
    %scan3A_16 = arith.constant 1024 : i32
    %scan3A_17 = arith.addi %scan3A_15, %scan3A_16 : i32
    %scan3A_18 = arith.constant 1 : i32
    scf.for %scan3A_20 = %scan3A_15 to %scan3A_17 step %scan3A_18  : i32 {
      %add3A_21 = arith.addi %mul3A_2, %scan3A_20 : i32
      %dma_wait3A = arith.constant 0 : i32
      %dma_wait3A_22 = arith.constant 0 : i32
      %dma_wait3A_23 = tpu.memref_slice %arg6[%dma_wait3A, %dma_wait3A_22] : memref<16x1024xf32, #tpu.memory_space<vmem>> -> memref<1x1024xf32, #tpu.memory_space<vmem>>
      %dma_wait3A_24 = tpu.memref_squeeze %dma_wait3A_23 : memref<1x1024xf32, #tpu.memory_space<vmem>> -> memref<1024xf32, #tpu.memory_space<vmem>>
      %dma_wait3A_25 = arith.constant 0 : i32
      %dma_wait3A_26 = tpu.memref_slice %arg4[%add3A_21, %dma_wait3A_25] : memref<32768x1024xf32, #tpu.memory_space<hbm>> -> memref<1x1024xf32, #tpu.memory_space<hbm>>
      %dma_wait3A_27 = tpu.memref_squeeze %dma_wait3A_26 : memref<1x1024xf32, #tpu.memory_space<hbm>> -> memref<1024xf32, #tpu.memory_space<hbm>>
      %dma_wait3A_28 = arith.constant 0 : i32
      %dma_wait3A_29 = tpu.memref_slice %arg4[%add3A_21, %dma_wait3A_28] : memref<32768x1024xf32, #tpu.memory_space<hbm>> -> memref<1x1024xf32, #tpu.memory_space<hbm>>
      %dma_wait3A_30 = tpu.memref_squeeze %dma_wait3A_29 : memref<1x1024xf32, #tpu.memory_space<hbm>> -> memref<1024xf32, #tpu.memory_space<hbm>>
      %dma_wait3A_31 = arith.constant 0 : i32
      %dma_wait3A_32 = tpu.memref_slice %arg6[%dma_wait3A, %dma_wait3A_31] : memref<16x1024xf32, #tpu.memory_space<vmem>> -> memref<1x1024xf32, #tpu.memory_space<vmem>>
      %dma_wait3A_33 = tpu.memref_squeeze %dma_wait3A_32 : memref<1x1024xf32, #tpu.memory_space<vmem>> -> memref<1024xf32, #tpu.memory_space<vmem>>
      tpu.wait_dma2 semaphore(%arg7 : memref<!tpu.dma_semaphore, #tpu.memory_space<semaphore_mem>>) src(%dma_wait3A_33 : memref<1024xf32, #tpu.memory_space<vmem>>) dst(%dma_wait3A_30 : memref<1024xf32, #tpu.memory_space<hbm>>)
    }
    %scan3A_19 = arith.constant 1024 : i32
    return
  }
}

</mosaic_0001>

<sc_bundles>
// kernel: kernel.3.cloned.1.call-start
scs
__scs_entry_jumppad:
0x0: {  	(pc) =	sbr.rel $0x88, $3  }
0x1: {  	(tag) =	ssettag $0x0;
	lr =	simm.s32 $0x1  }
0x2: {  	[smem:$0x3F9F] =	sst lr;
	_ =	strace $0xD0000000  }
0x3: {  	_ = 	snop  }
0x4: {  	_ = 	snop  }
0x5: {  	_ = 	snop  }
0x6: {  	_ = 	snop  }
0x7: {  	_ = 	snop  }
__scs_overlays_trampoline_lowered:
0x8: {  	[smem:$0x3FAE] =	sst s0  }
0x9: {  	[smem:$0x3FAF] =	sst s1  }
0xa: {  	[smem:$0x3FB0] =	sst s2  }
0xb: {  	[smem:$0x3FB1] =	sst s3  }
0xc: {  	[smem:$0x3FB2] =	sst s4  }
0xd: {  	[smem:$0x3FB3] =	sst s5  }
0xe: {  	[smem:$0x3FB4] =	sst s6  }
0xf: {  	[smem:$0x3FB5] =	sst s7  }
0x10: {  	[smem:$0x3FB6] =	sst s8  }
0x11: {  	[smem:$0x3FB7] =	sst s9;
	s0 =	simm.s32 @!p0 $0x0  }
0x12: {  	s1 =	sld [smem:$0x3F9D];
	s0 =	simm.s32 @p0 $0x1  }
0x13: {  	[smem:$0x3FB8] =	sst s0;
	s0 =	simm.s32 @!p1 $0x0  }
0x14: {  	s2 =	sld [smem:$0x3F9C];
	s0 =	simm.s32 @p1 $0x1  }
0x15: {  	[smem:$0x3FB9] =	sst s0;
	s0 =	simm.s32 @!p2 $0x0  }
0x16: {  	s3 =	sld [smem:$0x3FDB];
	s0 =	simm.s32 @p2 $0x1  }
0x17: {  	s4 =	simm.s32 $0x1BF5;
	[smem:$0x3FBB] =	sst s0  }
0x18: {  	s0 =	sld [smem:$0x3F9E];
	_ =	swait.ge [sflag:s4], $0x0  }
0x19: {  	s7 =	sld [smem:$0x3F9F]  }
0x1a: {  	s8 =	sadd.s32 $0xFFFFE003, lr  }
0x1b: {  	s9 =	sadd.s32 $0xFFFFFEF7, lr;
	s5 =	simm.s32 $0xFFFFFFFF;
	p2 =	slt.u32 s8, $0xFFFFF086  }
0x1c: {  	p1 =	slt.u32 s9, $0xF7A;
	s5 =	simm.s32 @!p2 $0x0  }
0x1d: {  	s5 =	simm.s32 @p1 $0x1;
	p0 =	seq.s32 s7, s2  }
0x1e: {  	s7 =	smul.u32 @!p0 $0xF7A, s2;
	p2 =	seq.s32 @!p0 s5, $0x0  }
0x1f: {  	s9 =	smul.u32 $0xF7A, s1;
	s8 =	simm.s32 @!p0 $0x1BF5;
	p2 =	por !p2, p0  }
0x20: {  	[sflag:s8] =	ssyncset.s32 @!p0 $0xFFFFF086;
	s6 =	sadd.s32 @!p0 s3, s7;
	s7 =	simm.s32 @!p0 $0x108  }
0x21: {  	s3 =	sadd.s32 s3, s9;
	s6 =	sadd.s32 @!p0 $0x88, s6;
	s7 =	simm.s32 @p2 $0x1082  }
0x22: {  	[simem:s7], [sflag:s8] =	dma.local @!p0 [hbm:s6], $0xF7A  }
0x23: {  	s9 =	sor.u32 $0xD0000000, s2;
	s6 =	simm.s32 $0x108;
	_ =	swait.ge @!p0 [sflag:s8], $0x0  }
0x24: {  	s3 =	sadd.s32 $0x88, s3;
	s6 =	simm.s32 @!p1 $0x1082;
	[sflag:s4] =	ssyncset.s32 $0xFFFFF086  }
0x25: {  	[simem:s6], [sflag:s4] =	dma.local [hbm:s3], $0xF7A  }
0x26: {  	[smem:$0x3F9F] =	sst s1;
	(tag) =	ssettag s2;
	_ =	strace s9  }
0x27: {  	s1 =	sld [smem:$0x3FAF]  }
0x28: {  	s2 =	sld [smem:$0x3FB0]  }
0x29: {  	s4 =	sld [smem:$0x3FB2]  }
0x2a: {  	p0 =	seq.s32 s5, $0x0;
	s5 =	sld [smem:$0x3FB3]  }
0x2b: {  	s6 =	sld [smem:$0x3FB4]  }
0x2c: {  	s7 =	sld [smem:$0x3FB5]  }
0x2d: {  	s3 =	simm.s32 $0x108;
	s8 =	sld [smem:$0x3FB6]  }
0x2e: {  	s3 =	simm.s32 @!p0 $0x1082;
	s9 =	sld [smem:$0x3FB7]  }
0x2f: {  	lr =	sadd.s32 s0, s3;
	s0 =	sld [smem:$0x3FAE]  }
0x30: {  	s3 =	sld [smem:$0x3FB1]  }
0x31: {  	[smem:$0x3FBA] =	sst s10  }
0x32: {  	s10 =	sld [smem:$0x3FB8];
	_ =	sdelay $0x3  }
0x33: {  	p0 =	seq.s32 s10, $0x1;
	s10 =	sld [smem:$0x3FBA];
	_ =	sdelay $0x3  }
0x34: {  	[smem:$0x3FBA] =	sst s10  }
0x35: {  	s10 =	sld [smem:$0x3FB9];
	_ =	sdelay $0x3  }
0x36: {  	p1 =	seq.s32 s10, $0x1;
	s10 =	sld [smem:$0x3FBA];
	_ =	sdelay $0x3  }
0x37: {  	[smem:$0x3FBA] =	sst s10  }
0x38: {  	s10 =	sld [smem:$0x3FBB]  }
0x39: {  	_ = 	snop;
	(pc) =	sbr.ind lr, $3  }
0x3a: {  	_ = 	snop  }
0x3b: {  	_ = 	snop  }
0x3c: {  	p2 =	seq.s32 s10, $0x1;
	s10 =	sld [smem:$0x3FBA]  }
0x3d: {  	_ =	shalt  }
0x3e: {  	_ =	shalt  }
0x3f: {  	_ =	shalt  }
0x40: {  	_ =	shalt  }
0x41: {  	_ =	shalt  }
0x42: {  	_ =	shalt  }
0x43: {  	_ =	shalt  }
0x44: {  	_ =	shalt  }
0x45: {  	_ =	shalt  }
0x46: {  	_ =	shalt  }
0x47: {  	_ =	shalt  }
0x48: {  	_ =	shalt  }
0x49: {  	_ =	shalt  }
0x4a: {  	_ =	shalt  }
0x4b: {  	_ =	shalt  }
0x4c: {  	_ =	shalt  }
0x4d: {  	_ =	shalt  }
0x4e: {  	_ =	shalt  }
0x4f: {  	_ =	shalt  }
0x50: {  	_ =	shalt  }
0x51: {  	_ =	shalt  }
0x52: {  	_ =	shalt  }
0x53: {  	_ =	shalt  }
0x54: {  	_ =	shalt  }
0x55: {  	_ =	shalt  }
0x56: {  	_ =	shalt  }
0x57: {  	_ =	shalt  }
0x58: {  	_ =	shalt  }
0x59: {  	_ =	shalt  }
0x5a: {  	_ =	shalt  }
0x5b: {  	_ =	shalt  }
0x5c: {  	_ =	shalt  }
0x5d: {  	_ =	shalt  }
0x5e: {  	_ =	shalt  }
0x5f: {  	_ =	shalt  }
0x60: {  	_ =	shalt  }
0x61: {  	_ =	shalt  }
0x62: {  	_ =	shalt  }
0x63: {  	_ =	shalt  }
0x64: {  	_ =	shalt  }
0x65: {  	_ =	shalt  }
0x66: {  	_ =	shalt  }
0x67: {  	_ =	shalt  }
0x68: {  	_ =	shalt  }
0x69: {  	_ =	shalt  }
0x6a: {  	_ =	shalt  }
0x6b: {  	_ =	shalt  }
0x6c: {  	_ =	shalt  }
0x6d: {  	_ =	shalt  }
0x6e: {  	_ =	shalt  }
0x6f: {  	_ =	shalt  }
0x70: {  	_ =	shalt  }
0x71: {  	_ =	shalt  }
0x72: {  	_ =	shalt  }
0x73: {  	_ =	shalt  }
0x74: {  	_ =	shalt  }
0x75: {  	_ =	shalt  }
0x76: {  	_ =	shalt  }
0x77: {  	_ =	shalt  }
0x78: {  	_ =	shalt  }
0x79: {  	_ =	shalt  }
0x7a: {  	_ =	shalt  }
0x7b: {  	_ =	shalt  }
0x7c: {  	_ =	shalt  }
0x7d: {  	_ =	shalt  }
0x7e: {  	_ =	shalt  }
0x7f: {  	_ =	shalt  }
0x80: {  	_ =	shalt  }
0x81: {  	_ =	shalt  }
0x82: {  	_ =	shalt  }
0x83: {  	_ =	shalt  }
0x84: {  	_ =	shalt  }
0x85: {  	_ =	shalt  }
0x86: {  	_ =	shalt  }
0x87: {  	_ =	shalt  }
.Lfunc_end0:
.L_simem_size_0:
called_computation_lowered:
.L_overlay_start_0:
0x88: {  	s2 =	sld [smem:$0x3FD9]  }
0x89: {  	s3 =	sld [smem:$0x3FFE];
	_ =	sdelay $0x1  }
0x8a: {  	s1 =	srdreg.scid  }
0x8b: {  	s0 =	sand.u32 $0x1, s1  }
0x8c: {  	s17 =	sshll.u32 s0, $0xA;
	s2 =	sadd.s32 s3, s2  }
0x8d: {  	s2 =	sadd.s32 s2, s17  }
0x8e: {  	[smem:$0x3FC6] =	sst s2  }
0x8f: {  	_ = 	snop  }
0x90: {  	s2 =	sld [smem:$0x3FC8]  }
0x91: {  	s18 =	sld [smem:$0x3FD0];
	(tm) =	ssettm $0x1  }
0x92: {  	s4 =	sld [smem:$0x3FFB];
	_ =	sdelay $0x3  }
0x93: {  	_ =	strace s4  }
0x94: {  	s4 =	sld [smem:$0x3FFC];
	_ =	sdelay $0x3  }
0x95: {  	_ =	strace s4  }
0x96: {  	s4 =	sld [smem:$0x3FFD];
	_ =	sdelay $0x3  }
0x97: {  	_ =	strace s4  }
0x98: {  	_ =	strace $0x8FFFFFFF  }
0x99: {  	s19 =	sld [smem:$0x3FDB];
	_ =	sdelay $0x1  }
0x9a: {  	s5 =	simm.s32 $_scs_section_size  }
0x9b: {  	s6 =	simm.s32 $_size__tile_overlayer_lowered;
	s7 =	simm.s32 $_tile_overlayer_lowered  }
0x9c: {  	s22 =	simm.s32 $0x1BFF;
	s21 =	sshll.u32 s7, $0x1;
	s4 =	sadd.s32 s5, s19  }
0x9d: {  	s8 =	simm.s32 $0x0;
	s20 =	sshll.u32 s6, $0x1;
	s6 =	sadd.s32 s21, s4  }
0x9e: {  	[timem:s8], [sflag:s22] =	dma.local [hbm:s6], s20  }
0x9f: {  	_ =	swait.ge [sflag:s22], s20  }
0xa0: {  	s5 =	ssub.s32 $0x0, s20;
	[sflag:s22] =	ssyncset.done $0x0  }
0xa1: {  	[sflag:s22] =	ssyncadd.s32 s5;
	_ =	sdelay $0x1  }
0xa2: {  	s23 =	simm.s32 $0x1B8B  }
0xa3: {  	_ =	swait.ge [sflag:s23], $0x1  }
0xa4: {  	[sflag:s23] =	ssyncset.done $0x0  }
0xa5: {  	s25 =	simm.s32 $0x1B8E;
	s24 =	sld [smem:$0x3FFE];
	[sflag:s23] =	ssyncadd.s32 $0xFFFFFFFF  }
0xa6: {  	s26 =	simm.s32 $execute0_lowered;
	[smem:$0x3FD2] =	sst s25  }
0xa7: {  	s6 =	sshll.u32 s26, $0x1;
	_ =	strace $0x80000046;
	[dreg:$0x1] =	wrdreg $0xFFFFFFFF  }
0xa8: {  	s28 =	simm.s32 $_size_execute0_lowered;
	s4 =	sadd.s32 s4, s6;
	[dreg:$0x0] =	wrdreg $0x0  }
0xa9: {  	s6 =	sshll.u32 s28, $0x1;
	[dreg:$0x2] =	wrdreg s4  }
0xaa: {  	[dreg:$0x3] =	wrdreg s6  }
0xab: {  	[dreg:$0x4] =	wrdreg $0xC0  }
0xac: {  	_ =	task [dreg:s8], $0x5FFFF  }
0xad: {  	[dreg:$0x1] =	wrdreg $0xFFFFFFFF  }
0xae: {  	[dreg:$0x0] =	wrdreg $0x60  }
0xaf: {  	[dreg:$0x2] =	wrdreg s24  }
0xb0: {  	[dreg:$0x3] =	wrdreg s2  }
0xb1: {  	[dreg:$0x4] =	wrdreg s18  }
0xb2: {  	[dreg:$0x5] =	wrdreg $0x9  }
0xb3: {  	_ =	task.clear_ibuf [dreg:s8], $0x6FFFF;
	_ =	strace $0x90000046  }
0xb4: {  	s29 =	simm.s32 $0x9;
	_ =	strace $0x80000048  }
0xb5: {  	_ =	swait.ge [sflag:s29], $0x1  }
0xb6: {  	[sflag:s29] =	ssyncadd.s32 $0xFFFFFFFF  }
0xb7: {  	_ =	strace $0x90000048  }
0xb8: {  	_ =	sfence  }
0xb9: {  	s30 =	sld [smem:$0x0];
	_ =	sdelay $0x2  }
0xba: {  	s31 =	sshll.u32 s1, $0xD;
	s1 =	sshrl.u32 s1, $0x2  }
0xbb: {  	s3 =	sand.u32 $0x4000, s31;
	s1 =	sadd.s32 s1, s30  }
0xbc: {  	s0 =	sor.u32 s3, s0;
	s1 =	sshll.u32 s1, $0x11  }
0xbd: {  	s0 =	sor.u32 s1, s0  }
0xbe: {  	s0 =	sadd.s32 $0x8F2B, s0  }
0xbf: {  	[sflag:s0] =	ssyncadd.remote.s32 $0x1  }
0xc0: {  	_ =	sfence.sel $0xFFFF  }
0xc1: {  	[dreg:$0x0] =	wrdreg $0xFFFFFFFF;
	(pc) =	sbr.abs _section_cstart, $3  }
0xc2: {  	[dreg:$0x1] =	wrdreg $0xFFFFFFFF  }
0xc3: {  	_ =	task.clear_ibuf [dreg:s8], $0x2FFFF;
	_ =	strace $0x9FFFFFFF  }
0xc4: {  	(tm) =	ssettm $0x7FFFFFFF  }
0xc5: {  	_ =	shalt  }
tec
execute0_lowered:
.L_overlay_start_1:
0x0: {  	(tag) =	ssettag $0x1  }
0x1: {  	s5 =	rddreg [dreg:$0x0]  }
0x2: {  	s2 =	rddreg [dreg:$0x1];
	s0 =	srdreg.scid  }
0x3: {  	s3 =	rddreg [dreg:$0x2];
	s1 =	stileid.u32;
	s4 =	simm.s32 $0x0  }
0x4: {  	s10 =	simm.s32 $0x1;
	s6 =	sand.u32 $0x1, s0;
	s0 =	rddreg [dreg:$0x3]  }
0x5: {  	s11 =	simm.s32 $0x0;
	s7 =	sshll.u32 s1, $0xB;
	[smem:$0x7FF] =	sst s4  }
0x6: {  	s30 =	sshll.u32 s1, $0x12;
	s8 =	sshll.u32 s6, $0xA;
	s28 =	ssub.s32 $0x2, s6  }
0x7: {  	_ =	strace $0x80000047;
	s31 =	sshll.u32 s6, $0x11;
	s7 =	sor.u32 s8, s7  }
0x8: {  	s9 =	sshrl.u32 s28, $0x1;
	s8 =	simm.s32 $0x2;
	s7 =	sshrl.u32 s7, $0x3  }
0x9: {  	s29 =	ssub.s32 s28, s9;
	s9 =	simm.s32 $0x480;
	s5 =	sadd.s32 s7, s5  }
0xa: {  	s6 =	smax.u32 s29, $0x1;
	s7 =	sor.u32 s31, s30;
	s5 =	sadd.s32 $0x400, s5  }
.LBB2_1:
0xb: {  	[tilespmem:s4], [sflag:$0x2] =	stream.linear.gather [hbm4b:s5+s4], $0x400, $0x38;
	[tilespmem:$0x4480] =	vst v63  }
0xc: {  	_ =	swait.ge [sflag:s8], $0x400  }
0xd: {  	[sflag:s8] =	ssyncset.done $0x0  }
0xe: {  	[sflag:s8] =	ssyncadd.s32 $0xFFFFFC00  }
0xf: {  	[tilespmem:s9], [sflag:$0x2] =	stream.linear.gather [hbm4b:s2+s4], $0x4000, $0x38;
	[tilespmem:$0x4480] =	vst v63  }
0x10: {  	_ =	swait.ge [sflag:s8], $0x4000  }
0x11: {  	s12 =	simm.s32 $0xFFFFC000;
	s13 =	simm.s32 $0x0;
	[sflag:s8] =	ssyncset.done $0x0  }
0x12: {  	s14 =	simm.s32 $0x0;
	s15 =	simm.s32 $0x0;
	[sflag:s8] =	ssyncadd.s32 $0xFFFFC000  }
.LBB2_2:
0x13: {  	s16 =	sadd.s32 $0x4000, s12  }
0x14: {  	s17 =	sand.u32 $0x380, s15;
	s16 =	sand.u32 $0x2000, s16  }
0x15: {  	s16 =	sor.u32 s17, s16  }
0x16: {  	v0 =	vld [tilespmem:s16+$0x480]  }
0x17: {  	v1 =	vld [tilespmem:s16+$0x490]  }
0x18: {  	v2 =	vld [tilespmem:s16+$0x4A0]  }
0x19: {  	v3 =	vld [tilespmem:s16+$0x4B0]  }
0x1a: {  	v4 =	vld [tilespmem:s16+$0x4D0]  }
0x1b: {  	v5 =	vld [tilespmem:s16+$0x4E0];
	v0 =	vmul.f32 $3.200000000e+01, v0  }
0x1c: {  	v6 =	vld [tilespmem:s16+$0x4F0];
	v1 =	vmul.f32 $3.200000000e+01, v1  }
0x1d: {  	v23 =	vld [tilespmem:s16+$0x880];
	v22 =	vmul.f32 $3.200000000e+01, v2;
	[tilespmem:s16+$0x480] =	vst v0  }
0x1e: {  	v25 =	vld [tilespmem:s16+$0x890];
	v24 =	vmul.f32 $3.200000000e+01, v3;
	[tilespmem:s16+$0x490] =	vst v1  }
0x1f: {  	v27 =	vld [tilespmem:s16+$0x8A0];
	v26 =	vmul.f32 $3.200000000e+01, v4;
	[tilespmem:s16+$0x4A0] =	vst v22  }
0x20: {  	v29 =	vld [tilespmem:s16+$0x8B0];
	v28 =	vmul.f32 $3.200000000e+01, v5;
	[tilespmem:s16+$0x4B0] =	vst v24  }
0x21: {  	v31 =	vld [tilespmem:s16+$0x8D0];
	v30 =	vmul.f32 $3.200000000e+01, v6;
	[tilespmem:s16+$0x4D0] =	vst v26  }
0x22: {  	v33 =	vld [tilespmem:s16+$0x8E0];
	v32 =	vmul.f32 $3.200000000e+01, v23;
	[tilespmem:s16+$0x4E0] =	vst v28  }
0x23: {  	v35 =	vld [tilespmem:s16+$0x8F0];
	v34 =	vmul.f32 $3.200000000e+01, v25;
	[tilespmem:s16+$0x4F0] =	vst v30  }
0x24: {  	v37 =	vld [tilespmem:s16+$0xC80];
	v36 =	vmul.f32 $3.200000000e+01, v27;
	[tilespmem:s16+$0x880] =	vst v32  }
0x25: {  	v39 =	vld [tilespmem:s16+$0xC90];
	v38 =	vmul.f32 $3.200000000e+01, v29;
	[tilespmem:s16+$0x890] =	vst v34  }
0x26: {  	v41 =	vld [tilespmem:s16+$0xCA0];
	v40 =	vmul.f32 $3.200000000e+01, v31;
	[tilespmem:s16+$0x8A0] =	vst v36  }
0x27: {  	v43 =	vld [tilespmem:s16+$0xCB0];
	v42 =	vmul.f32 $3.200000000e+01, v33;
	[tilespmem:s16+$0x8B0] =	vst v38  }
0x28: {  	v45 =	vld [tilespmem:s16+$0xCD0];
	v44 =	vmul.f32 $3.200000000e+01, v35;
	[tilespmem:s16+$0x8D0] =	vst v40  }
0x29: {  	v47 =	vld [tilespmem:s16+$0xCE0];
	v46 =	vmul.f32 $3.200000000e+01, v37;
	[tilespmem:s16+$0x8E0] =	vst v42  }
0x2a: {  	v49 =	vld [tilespmem:s16+$0xCF0];
	v48 =	vmul.f32 $3.200000000e+01, v39;
	[tilespmem:s16+$0x8F0] =	vst v44  }
0x2b: {  	v51 =	vld [tilespmem:s16+$0x1080];
	v50 =	vmul.f32 $3.200000000e+01, v41;
	[tilespmem:s16+$0xC80] =	vst v46  }
0x2c: {  	v53 =	vld [tilespmem:s16+$0x1090];
	v52 =	vmul.f32 $3.200000000e+01, v43;
	[tilespmem:s16+$0xC90] =	vst v48  }
0x2d: {  	v55 =	vld [tilespmem:s16+$0x10A0];
	v54 =	vmul.f32 $3.200000000e+01, v45;
	[tilespmem:s16+$0xCA0] =	vst v50  }
0x2e: {  	v57 =	vld [tilespmem:s16+$0x10B0];
	v56 =	vmul.f32 $3.200000000e+01, v47;
	[tilespmem:s16+$0xCB0] =	vst v52  }
0x2f: {  	v59 =	vld [tilespmem:s16+$0x10D0];
	v58 =	vmul.f32 $3.200000000e+01, v49;
	[tilespmem:s16+$0xCD0] =	vst v54  }
0x30: {  	v61 =	vld [tilespmem:s16+$0x10E0];
	v60 =	vmul.f32 $3.200000000e+01, v51;
	[tilespmem:s16+$0xCE0] =	vst v56  }
0x31: {  	v63 =	vld [tilespmem:s16+$0x10F0];
	v62 =	vmul.f32 $3.200000000e+01, v53;
	[tilespmem:s16+$0xCF0] =	vst v58  }
0x32: {  	v9 =	vld [tilespmem:s16+$0x1480];
	v8 =	vmul.f32 $3.200000000e+01, v55;
	[tilespmem:s16+$0x1080] =	vst v60  }
0x33: {  	v11 =	vld [tilespmem:s16+$0x1490];
	v10 =	vmul.f32 $3.200000000e+01, v57;
	[tilespmem:s16+$0x1090] =	vst v62  }
0x34: {  	v13 =	vld [tilespmem:s16+$0x14A0];
	v12 =	vmul.f32 $3.200000000e+01, v59;
	[tilespmem:s16+$0x10A0] =	vst v8  }
0x35: {  	v15 =	vld [tilespmem:s16+$0x14B0];
	v14 =	vmul.f32 $3.200000000e+01, v61;
	[tilespmem:s16+$0x10B0] =	vst v10  }
0x36: {  	v17 =	vld [tilespmem:s16+$0x14D0];
	v16 =	vmul.f32 $3.200000000e+01, v63;
	[tilespmem:s16+$0x10D0] =	vst v12  }
0x37: {  	v19 =	vld [tilespmem:s16+$0x14E0];
	v18 =	vmul.f32 $3.200000000e+01, v9;
	[tilespmem:s16+$0x10E0] =	vst v14  }
0x38: {  	v21 =	vld [tilespmem:s16+$0x14F0];
	v20 =	vmul.f32 $3.200000000e+01, v11;
	[tilespmem:s16+$0x10F0] =	vst v16  }
0x39: {  	v23 =	vld [tilespmem:s16+$0x1880];
	[tilespmem:s16+$0x1480] =	vst v18;
	v22 =	vmul.f32 $3.200000000e+01, v13  }
0x3a: {  	v25 =	vld [tilespmem:s16+$0x1890];
	[tilespmem:s16+$0x1490] =	vst v20;
	v24 =	vmul.f32 $3.200000000e+01, v15  }
0x3b: {  	v27 =	vld [tilespmem:s16+$0x18A0];
	v26 =	vmul.f32 $3.200000000e+01, v17;
	[tilespmem:s16+$0x14A0] =	vst v22  }
0x3c: {  	v29 =	vld [tilespmem:s16+$0x18B0];
	v28 =	vmul.f32 $3.200000000e+01, v19;
	[tilespmem:s16+$0x14B0] =	vst v24  }
0x3d: {  	v31 =	vld [tilespmem:s16+$0x18D0];
	v30 =	vmul.f32 $3.200000000e+01, v21;
	[tilespmem:s16+$0x14D0] =	vst v26  }
0x3e: {  	v33 =	vld [tilespmem:s16+$0x18E0];
	[tilespmem:s16+$0x14E0] =	vst v28;
	v32 =	vmul.f32 $3.200000000e+01, v23  }
0x3f: {  	v35 =	vld [tilespmem:s16+$0x18F0];
	[tilespmem:s16+$0x14F0] =	vst v30;
	v34 =	vmul.f32 $3.200000000e+01, v25  }
0x40: {  	v37 =	vld [tilespmem:s16+$0x1C80];
	v36 =	vmul.f32 $3.200000000e+01, v27;
	[tilespmem:s16+$0x1880] =	vst v32  }
0x41: {  	v39 =	vld [tilespmem:s16+$0x1C90];
	v38 =	vmul.f32 $3.200000000e+01, v29;
	[tilespmem:s16+$0x1890] =	vst v34  }
0x42: {  	v41 =	vld [tilespmem:s16+$0x1CA0];
	v40 =	vmul.f32 $3.200000000e+01, v31;
	[tilespmem:s16+$0x18A0] =	vst v36  }
0x43: {  	v43 =	vld [tilespmem:s16+$0x1CB0];
	v42 =	vmul.f32 $3.200000000e+01, v33;
	[tilespmem:s16+$0x18B0] =	vst v38  }
0x44: {  	v45 =	vld [tilespmem:s16+$0x1CD0];
	v44 =	vmul.f32 $3.200000000e+01, v35;
	[tilespmem:s16+$0x18D0] =	vst v40  }
0x45: {  	v47 =	vld [tilespmem:s16+$0x1CE0];
	v46 =	vmul.f32 $3.200000000e+01, v37;
	[tilespmem:s16+$0x18E0] =	vst v42  }
0x46: {  	v49 =	vld [tilespmem:s16+$0x1CF0];
	v48 =	vmul.f32 $3.200000000e+01, v39;
	[tilespmem:s16+$0x18F0] =	vst v44  }
0x47: {  	v51 =	vld [tilespmem:s16+$0x8C0];
	v4 =	vmul.f32 $3.200000000e+01, v41;
	[tilespmem:s16+$0x1C80] =	vst v46  }
0x48: {  	v53 =	vld [tilespmem:s16+$0x10C0];
	v5 =	vmul.f32 $3.200000000e+01, v43;
	[tilespmem:s16+$0x1C90] =	vst v48  }
0x49: {  	v55 =	vld [tilespmem:s16+$0x18C0];
	v6 =	vmul.f32 $3.200000000e+01, v45;
	[tilespmem:s16+$0x1CA0] =	vst v4  }
0x4a: {  	s23 =	sand.u32 $0x7, s13;
	v50 =	vld [tilespmem:s16+$0x4C0];
	v2 =	vmul.f32 $3.200000000e+01, v47;
	[tilespmem:s16+$0x1CB0] =	vst v5  }
0x4b: {  	s17 =	sshll.u32 s23, $0x7;
	v52 =	vld [tilespmem:s16+$0xCC0];
	v3 =	vmul.f32 $3.200000000e+01, v49;
	[tilespmem:s16+$0x1CD0] =	vst v6  }
0x4c: {  	s17 =	sadd.s32 s17, s14;
	v54 =	vld [tilespmem:s16+$0x14C0];
	v1 =	vmul.f32 $3.200000000e+01, v51;
	[tilespmem:s16+$0x1CE0] =	vst v2  }
0x4d: {  	s18 =	sor.u32 $0x1C00, s17;
	v56 =	vld [tilespmem:s16+$0x1CC0];
	v59 =	vmul.f32 $3.200000000e+01, v53;
	[tilespmem:s16+$0x1CF0] =	vst v3  }
0x4e: {  	v61 =	vmul.f32 $3.200000000e+01, v55;
	[tilespmem:s16+$0x8C0] =	vst v1;
	v58 =	vld [tilespmem:s18+$0x480]  }
0x4f: {  	v0 =	vmul.f32 $3.200000000e+01, v50;
	[tilespmem:s16+$0x10C0] =	vst v59  }
0x50: {  	v57 =	vmul.f32 $3.200000000e+01, v52;
	[tilespmem:s16+$0x18C0] =	vst v61  }
0x51: {  	v60 =	vmul.f32 $3.200000000e+01, v54;
	[tilespmem:s16+$0x4C0] =	vst v0  }
0x52: {  	v62 =	vmul.f32 $3.200000000e+01, v56;
	[tilespmem:s16+$0xCC0] =	vst v57  }
0x53: {  	[tilespmem:s16+$0x14C0] =	vst v60;
	v63 =	vmul.f32 $3.200000000e+01, v58  }
0x54: {  	[tilespmem:s16+$0x1CC0] =	vst v62  }
0x55: {  	s24 =	sor.u32 $0x1C10, s17;
	[tilespmem:s18+$0x480] =	vst v63  }
0x56: {  	v0 =	vld [tilespmem:s24+$0x480];
	_ =	sdelay $0x4  }
0x57: {  	v0 =	vmul.f32 $3.200000000e+01, v0;
	_ =	sdelay $0x1  }
0x58: {  	s25 =	sor.u32 $0x1C20, s17;
	[tilespmem:s24+$0x480] =	vst v0  }
0x59: {  	v0 =	vld [tilespmem:s25+$0x480];
	_ =	sdelay $0x4  }
0x5a: {  	v0 =	vmul.f32 $3.200000000e+01, v0;
	_ =	sdelay $0x1  }
0x5b: {  	s26 =	sor.u32 $0x1C30, s17;
	[tilespmem:s25+$0x480] =	vst v0  }
0x5c: {  	v0 =	vld [tilespmem:s26+$0x480];
	_ =	sdelay $0x4  }
0x5d: {  	v0 =	vmul.f32 $3.200000000e+01, v0;
	_ =	sdelay $0x1  }
0x5e: {  	s28 =	sor.u32 $0x1C40, s17;
	[tilespmem:s26+$0x480] =	vst v0  }
0x5f: {  	v0 =	vld [tilespmem:s28+$0x480];
	_ =	sdelay $0x4  }
0x60: {  	v0 =	vmul.f32 $3.200000000e+01, v0;
	_ =	sdelay $0x1  }
0x61: {  	s29 =	sor.u32 $0x1C50, s17;
	[tilespmem:s28+$0x480] =	vst v0  }
0x62: {  	v0 =	vld [tilespmem:s29+$0x480];
	_ =	sdelay $0x4  }
0x63: {  	v0 =	vmul.f32 $3.200000000e+01, v0;
	_ =	sdelay $0x1  }
0x64: {  	s30 =	sor.u32 $0x1C60, s17;
	[tilespmem:s29+$0x480] =	vst v0  }
0x65: {  	v0 =	vld [tilespmem:s30+$0x480];
	_ =	sdelay $0x4  }
0x66: {  	v0 =	vmul.f32 $3.200000000e+01, v0;
	_ =	sdelay $0x1  }
0x67: {  	s31 =	sor.u32 $0x1C70, s17;
	[tilespmem:s30+$0x480] =	vst v0  }
0x68: {  	v0 =	vld [tilespmem:s31+$0x480];
	_ =	sdelay $0x1  }
0x69: {  	p0 =	sne.s32 s15, $0x780  }
.Ltmp0:
0x6a: {  	_ = 	snop;
	(pc) =	sbr.rel @p0 .LBB2_2-.Ltmp0, $4  }
0x6b: {  	_ = 	snop  }
0x6c: {  	v0 =	vmul.f32 $3.200000000e+01, v0  }
0x6d: {  	s13 =	sadd.s32 $0x1, s13  }
0x6e: {  	s12 =	sadd.s32 $0x400, s12;
	s15 =	sadd.s32 $0x80, s15;
	s14 =	sadd.s32 $0x400, s14;
	[tilespmem:s31+$0x480] =	vst v0  }
0x6f: {  	s12 =	simm.s32 $0x0  }
0x70: {  	v0 =	vld [tilespmem:s12+$0x0];
	_ =	sdelay $0x4  }
0x71: {  	(v2sf) =	vpush v0, $0x0;
	_ =	sdelay $0xe  }
0x72: {  	s13 =	spop (v2sf)  }
0x73: {  	s14 =	sshll.u32 s13, $0xA;
	s13 =	sshll.u32 s13, $0x7  }
0x74: {  	s12 =	sand.u32 $0x70, s12;
	s14 =	sand.u32 $0xFFFFE000, s14;
	s13 =	sand.u32 $0x380, s13  }
0x75: {  	s15 =	sand.u32 $0x3FFC00, s7;
	s12 =	sadd.s32 s3, s12;
	s14 =	sor.u32 s13, s14  }
0x76: {  	s16 =	sadd.s32 s15, s12;
	s18 =	sadd.s32 $0x480, s14  }
0x77: {  	[hbm4b:s16+s4] =	stream.linear.scatter [tilespmem:s18], [sflag:$0x1], $0x80, $0x38;
	[tilespmem:$0x4480] =	vst v63  }
0x78: {  	s20 =	sadd.s32 $0x80, s16;
	s19 =	sadd.s32 $0x880, s14  }
0x79: {  	[hbm4b:s20+s4] =	stream.linear.scatter [tilespmem:s19], [sflag:$0x1], $0x80, $0x38;
	[tilespmem:$0x4480] =	vst v63  }
0x7a: {  	s12 =	simm.s32 $0x10;
	s22 =	sadd.s32 $0x100, s16;
	s21 =	sadd.s32 $0xC80, s14  }
0x7b: {  	[hbm4b:s22+s4] =	stream.linear.scatter [tilespmem:s21], [sflag:$0x1], $0x80, $0x38;
	[tilespmem:$0x4480] =	vst v63  }
0x7c: {  	s24 =	sadd.s32 $0x180, s16;
	s26 =	sadd.s32 $0x200, s16;
	s23 =	sadd.s32 $0x1080, s14  }
0x7d: {  	[hbm4b:s24+s4] =	stream.linear.scatter [tilespmem:s23], [sflag:$0x1], $0x80, $0x38;
	[tilespmem:$0x4480] =	vst v63  }
0x7e: {  	s29 =	sadd.s32 $0x280, s16;
	s31 =	sadd.s32 $0x300, s16;
	s25 =	sadd.s32 $0x1480, s14  }
0x7f: {  	[hbm4b:s26+s4] =	stream.linear.scatter [tilespmem:s25], [sflag:$0x1], $0x80, $0x38;
	[tilespmem:$0x4480] =	vst v63  }
0x80: {  	s13 =	sadd.s32 $0x80, s7;
	s28 =	sadd.s32 $0x1880, s14;
	s30 =	sadd.s32 $0x1C80, s14  }
0x81: {  	[hbm4b:s29+s4] =	stream.linear.scatter [tilespmem:s28], [sflag:$0x1], $0x80, $0x38;
	[tilespmem:$0x4480] =	vst v63  }
0x82: {  	s15 =	sadd.s32 $0x2080, s14;
	s14 =	simm.s32 $0x1;
	s16 =	sadd.s32 $0x380, s16  }
0x83: {  	[hbm4b:s31+s4] =	stream.linear.scatter [tilespmem:s30], [sflag:$0x1], $0x80, $0x38;
	[tilespmem:$0x4480] =	vst v63  }
.LBB2_4:
0x84: {  	[hbm4b:s16+s4] =	stream.linear.scatter [tilespmem:s15], [sflag:$0x1], $0x80, $0x38;
	[tilespmem:$0x4480] =	vst v63  }
0x85: {  	p0 =	sne.s32 s12, $0x3FF0;
	s15 =	smov.u32 s12;
	s12 =	sadd.s32 $0x10, s12;
	v0 =	vld [tilespmem:s14+$0x0]  }
0x86: {  	_ =	sdelay $0x3  }
0x87: {  	(v2sf) =	vpush v0, $0x0;
	_ =	sdelay $0xe  }
0x88: {  	s16 =	spop (v2sf)  }
0x89: {  	s17 =	sshll.u32 s16, $0xA;
	s16 =	sshll.u32 s16, $0x7  }
0x8a: {  	s15 =	sand.u32 $0x70, s15;
	s17 =	sand.u32 $0xFFFFE000, s17;
	s16 =	sand.u32 $0x380, s16  }
0x8b: {  	s18 =	sand.u32 $0x3FFC00, s13;
	s15 =	sadd.s32 s3, s15;
	s16 =	sor.u32 s16, s17  }
0x8c: {  	s17 =	sadd.s32 s18, s15;
	s15 =	sadd.s32 $0x480, s16  }
0x8d: {  	[hbm4b:s17+s4] =	stream.linear.scatter [tilespmem:s15], [sflag:$0x1], $0x80, $0x38;
	[tilespmem:$0x4480] =	vst v63  }
0x8e: {  	s18 =	sadd.s32 $0x80, s17;
	s15 =	sadd.s32 $0x880, s16  }
0x8f: {  	[hbm4b:s18+s4] =	stream.linear.scatter [tilespmem:s15], [sflag:$0x1], $0x80, $0x38;
	[tilespmem:$0x4480] =	vst v63  }
0x90: {  	s15 =	sadd.s32 $0xC80, s16;
	s18 =	sadd.s32 $0x100, s17  }
0x91: {  	[hbm4b:s18+s4] =	stream.linear.scatter [tilespmem:s15], [sflag:$0x1], $0x80, $0x38;
	[tilespmem:$0x4480] =	vst v63  }
0x92: {  	s15 =	sadd.s32 $0x1080, s16;
	s18 =	sadd.s32 $0x180, s17  }
0x93: {  	[hbm4b:s18+s4] =	stream.linear.scatter [tilespmem:s15], [sflag:$0x1], $0x80, $0x38;
	[tilespmem:$0x4480] =	vst v63  }
0x94: {  	s15 =	sadd.s32 $0x1480, s16;
	s18 =	sadd.s32 $0x200, s17  }
0x95: {  	[hbm4b:s18+s4] =	stream.linear.scatter [tilespmem:s15], [sflag:$0x1], $0x80, $0x38;
	[tilespmem:$0x4480] =	vst v63  }
.Ltmp1:
0x96: {  	s15 =	sadd.s32 $0x1880, s16;
	s18 =	sadd.s32 $0x280, s17;
	(pc) =	sbr.rel @p0 .LBB2_4-.Ltmp1, $4  }
0x97: {  	[hbm4b:s18+s4] =	stream.linear.scatter [tilespmem:s15], [sflag:$0x1], $0x80, $0x38;
	[tilespmem:$0x4480] =	vst v63  }
0x98: {  	s13 =	sadd.s32 $0x80, s13;
	s15 =	sadd.s32 $0x1C80, s16;
	s18 =	sadd.s32 $0x300, s17  }
0x99: {  	[hbm4b:s18+s4] =	stream.linear.scatter [tilespmem:s15], [sflag:$0x1], $0x80, $0x38;
	[tilespmem:$0x4480] =	vst v63  }
0x9a: {  	s14 =	sadd.s32 $0x1, s14;
	s15 =	sadd.s32 $0x2080, s16;
	s16 =	sadd.s32 $0x380, s17  }
0x9b: {  	[hbm4b:s16+s4] =	stream.linear.scatter [tilespmem:s15], [sflag:$0x1], $0x80, $0x38;
	[tilespmem:$0x4480] =	vst v63  }
0x9c: {  	_ =	swait.ge [sflag:s10], $0x400  }
0x9d: {  	s12 =	simm.s32 $0x3FF;
	[sflag:s10] =	ssyncset.done $0x0  }
.LBB2_6:
0x9e: {  	p0 =	sne.s32 s12, $0x1;
	s12 =	sadd.s32 $0xFFFFFFFF, s12;
	[sflag:s10] =	ssyncadd.s32 $0xFFFFFC00  }
.Ltmp2:
0x9f: {  	(pc) =	sbr.rel @p0 .LBB2_6-.Ltmp2, $3  }
0xa0: {  	_ =	sdelay $0x1  }
0xa1: {  	_ =	swait.ge [sflag:s10], $0x400  }
0xa2: {  	[sflag:s10] =	ssyncset.done $0x0  }
0xa3: {  	s11 =	sadd.s32 $0x1, s11  }
0xa4: {  	p0 =	sne.s32 s11, s6  }
.Ltmp3:
0xa5: {  	_ = 	snop;
	(pc) =	sbr.rel @p0 .LBB2_1-.Ltmp3, $2  }
0xa6: {  	_ =	sdelay $0x2  }
0xa7: {  	[sflag:s10] =	ssyncadd.s32 $0xFFFFFC00  }
0xa8: {  	_ =	sfence.sel $0x180000  }
0xa9: {  	[bflag:$0x0] =	sbarrier.arrive $0xFFFF  }
0xaa: {  	p0 =	sne.s32 s1, $0x0;
	_ =	strace $0x90000047  }
0xab: {  	s0 =	sadd.s32 @!p0 $0x100000, s0;
	[bflag:$0x2] =	sbarrier.arrive $0xFFFF  }
0xac: {  	[sflag:s0] =	ssyncadd.tile.s32 @!p0 $0x1;
	_ =	shalt  }
.Lfunc_end2:
_tile_overlayer_lowered:
.L_overlay_start_2:
0xad: {  	(tag) =	ssettag $0x2  }
0xae: {  	s0 =	rddreg [dreg:$0x0];
	s2 =	stileid.u32  }
0xaf: {  	s1 =	rddreg [dreg:$0x1];
	p0 =	sne.s32 s2, $0x0  }
0xb0: {  	s3 =	rddreg [dreg:$0x2];
	[bflag:$0x3] =	sbarrier.arrive $0xFFFF;
	s2 =	simm.s32 @!p0 $0x1C02  }
0xb1: {  	[timem:s3], [sflag:s2] =	dma.local @!p0 [hbm:s0], s1  }
0xb2: {  	s0 =	simm.s32 @!p0 $0x2  }
0xb3: {  	_ =	swait.ge @!p0 [sflag:s0], s1  }
0xb4: {  	s1 =	ssub.s32 @!p0 $0x0, s1;
	[sflag:s0] =	ssyncset.done @!p0 $0x0  }
0xb5: {  	[sflag:s0] =	ssyncadd.s32 @!p0 s1  }
0xb6: {  	[bflag:$0x3] =	sbarrier.arrive $0xFFFF  }
0xb7: {  	_ =	shalt  }

</sc_bundles>
